<compile_context>
chip_gen: v7x
topology: tpu7x:2x2x1
jax: 0.10.2.dev20260603
libtpu: 0.0.44.dev20260713+nightly
codegen_flags: <defaults>
</compile_context>

<pallas_src>
import functools

import jax
import jax.numpy as jnp
from jax import lax
from jax.experimental import pallas as pl
from jax.experimental.pallas import tpu as pltpu
from jax.experimental.pallas import tpu_sc as plsc

N = 10000
E = 160000
C = 16
R = 64
NC = 2
NS = 16
L = 16
N2 = 10240
CH = 128
NCH = 80
EP = NCH * CH
E2 = NS * EP
NPT = N2 // NS
TRASH = N2 - 1
NRING = 8
GAHEAD = 4

_MESH = plsc.VectorSubcoreMesh(
    core_axis_name="c", subcore_axis_name="s", num_cores=NC, num_subcores=NS
)
_SC_PARAMS = pltpu.CompilerParams(
    needs_layout_passes=False, use_tc_tiling_on_sc=False
)


@functools.partial(
    pl.kernel,
    out_type=jax.ShapeDtypeStruct((NC, NS, N2 // 128, 128), jnp.float32),
    mesh=_MESH,
    compiler_params=_SC_PARAMS,
    scratch_types=[
        pltpu.VMEM((NCH, CH), jnp.int32),
        pltpu.VMEM((N2 // 128, 128), jnp.float32),
    ],
)
def _sc_counts(ec_hbm, out_hbm, ev, cnt):
    c = lax.axis_index("c")
    s = lax.axis_index("s")
    pltpu.sync_copy(ec_hbm.at[c, s], ev)

    zeros = jnp.zeros((L,), jnp.float32)

    def _zero(r, carry):
        for p in range(128 // L):
            cnt[r, pl.ds(p * L, L)] = zeros
        return carry

    lax.fori_loop(0, N2 // 128, _zero, 0)

    ones = jnp.ones((L,), jnp.float32)

    def _accum(r, carry):
        for p in range(CH // L):
            idx = ev[r, pl.ds(p * L, L)]
            plsc.addupdate_scatter(cnt, [idx >> 7, idx & 127], ones)
        return carry

    lax.fori_loop(0, NCH, _accum, 0)
    pltpu.sync_copy(cnt, out_hbm.at[c, s])


def _norm_body(wf_ref, wb_ref, of_ref, ob_ref):
    for w_ref, o_ref in ((wf_ref, of_ref), (wb_ref, ob_ref)):
        w = w_ref[...]
        nrm = jnp.sqrt(jnp.sum(w * w, axis=1, keepdims=True)) + 0.01
        o_ref[...] = w / nrm


def _tc_norm(fwd_table, bwd_table):
    return pl.pallas_call(
        _norm_body,
        out_shape=(
            jax.ShapeDtypeStruct((R, C * C), jnp.float32),
            jax.ShapeDtypeStruct((R, C * C), jnp.float32),
        ),
    )(fwd_table, bwd_table)


def _mm_body(x_ref, cp_ref, wbd_ref, y_ref, xs_ref):
    g = pl.program_id(0)

    @pl.when(g == 0)
    def _prep():
        x = x_ref[...]
        deg = jnp.sum(cp_ref[...], axis=1) + 1.0
        xs_ref[:, :C] = x / deg[0][:, None]
        xs_ref[:, C:] = x / deg[1][:, None]

    yy = jnp.dot(xs_ref[...], wbd_ref[0],
                 preferred_element_type=jnp.float32)
    y_ref[0, 0] = yy[:, :128]
    y_ref[1, 0] = yy[:, 128:]


def _tc_matmul(x, cntp, w2bd):
    return pl.pallas_call(
        _mm_body,
        grid=((R * C) // 128,),
        in_specs=[
            pl.BlockSpec((N2, C), lambda g: (0, 0)),
            pl.BlockSpec((NC, NS, N2), lambda g: (0, 0, 0)),
            pl.BlockSpec((1, 2 * C, 2 * 128), lambda g: (g, 0, 0)),
        ],
        out_specs=pl.BlockSpec((NC, 1, N2, 128), lambda g: (0, g, 0, 0)),
        out_shape=jax.ShapeDtypeStruct((NC, (R * C) // 128, N2, 128),
                                       jnp.float32),
        scratch_shapes=[pltpu.VMEM((N2, 2 * C), jnp.float32)],
    )(x, cntp, w2bd)


@functools.partial(
    pl.kernel,
    out_type=jax.ShapeDtypeStruct((NC, N2, C), jnp.float32),
    mesh=_MESH,
    compiler_params=_SC_PARAMS,
    scratch_types=(
        [pltpu.VMEM((NCH, CH), jnp.int32) for _ in range(3)]
        + [pltpu.VMEM((CH, C), jnp.float32) for _ in range(NRING)]
        + [pltpu.VMEM((CH, C), jnp.float32)]
        + [pltpu.SemaphoreType.DMA for _ in range(2 * NRING)]
        + [pltpu.VMEM_SHARED((N2, C), jnp.float32)]
    ),
)
def _sc_gather_scatter(ec_hbm, y_hbm, out_hbm, *refs):
    gidx, didx, tt = refs[0], refs[1], refs[2]
    rows = refs[3:3 + NRING]
    zb = refs[3 + NRING]
    gsems = refs[4 + NRING:4 + 2 * NRING]
    ssems = refs[4 + 2 * NRING:4 + 3 * NRING]
    acc = refs[4 + 3 * NRING]

    c = lax.axis_index("c")
    s = lax.axis_index("s")

    zeros = jnp.zeros((L,), jnp.float32)

    def _zrow(r, carry):
        zb[r, :] = zeros
        return carry

    lax.fori_loop(0, CH, _zrow, 0)
    for k in range(NPT // CH):
        pltpu.sync_copy(zb, acc.at[pl.ds(s * NPT + k * CH, CH)])
    plsc.subcore_barrier()

    pltpu.sync_copy(ec_hbm.at[c, s], gidx)
    pltpu.sync_copy(ec_hbm.at[1 - c, s], didx)
    pltpu.sync_copy(ec_hbm.at[2, s], tt)

    base = c * (N2 * R)

    def _build(r, carry):
        for p in range(CH // L):
            sl = pl.ds(p * L, L)
            tv = tt[r, sl]
            gidx[r, sl] = (gidx[r, sl] * 8 + (tv >> 3) * (N2 * 8)
                           + (tv & 7) + base)
        return carry

    lax.fori_loop(0, NCH, _build, 0)

    for b in range(GAHEAD):
        pltpu.async_copy(y_hbm.at[gidx.at[b]], rows[b], gsems[b])

    def _ring(k, carry):
        j0 = NRING * k
        for u in range(NRING):
            j = j0 + u
            bp = (u + GAHEAD) % NRING

            @pl.when(j >= GAHEAD)
            def _drain(bp=bp, j=j):
                pltpu.make_async_copy(
                    rows[bp], acc.at[didx.at[j - GAHEAD]], ssems[bp]).wait()

            @pl.when(j + GAHEAD < NCH)
            def _fire(bp=bp, j=j):
                pltpu.async_copy(
                    y_hbm.at[gidx.at[j + GAHEAD]], rows[bp], gsems[bp])

            pltpu.make_async_copy(y_hbm.at[gidx.at[j]], rows[u],
                                  gsems[u]).wait()
            pltpu.async_copy(rows[u], acc.at[didx.at[j]], ssems[u],
                             add=True)
        return carry

    lax.fori_loop(0, NCH // NRING, _ring, 0)
    for b in range(GAHEAD):
        j = NCH - GAHEAD + b
        pltpu.make_async_copy(rows[(j % NRING)], acc.at[didx.at[j]],
                              ssems[j % NRING]).wait()

    plsc.subcore_barrier()
    pltpu.sync_copy(acc.at[pl.ds(s * NPT, NPT)],
                    out_hbm.at[c, pl.ds(s * NPT, NPT)])


def _fin_body(x_ref, w_ref, b_ref, acc_ref, o_ref):
    x = x_ref[...]
    lin = lax.dot_general(x, w_ref[...], (((1,), (1,)), ((), ())),
                          preferred_element_type=jnp.float32)
    o_ref[...] = lin + b_ref[...] + acc_ref[0, :N, :] + acc_ref[1, :N, :]


def _tc_final(x, lin_w, lin_b2, acc):
    return pl.pallas_call(
        _fin_body,
        out_shape=jax.ShapeDtypeStruct((N, C), jnp.float32),
    )(x, lin_w, lin_b2, acc)


def kernel(x, edge_index, edge_type, lin_w, lin_b, fwd_table, bwd_table):
    pad = jnp.concatenate([jnp.full((2, E2 - E), TRASH, jnp.int32),
                           jnp.zeros((1, E2 - E), jnp.int32)])
    ec3 = jnp.concatenate(
        [jnp.concatenate([edge_index, edge_type[None]]), pad],
        axis=1).reshape(3, NS, NCH, CH)

    cntp = _sc_counts(ec3).reshape(NC, NS, N2)

    wnf, wnb = _tc_norm(fwd_table, bwd_table)
    w2f = wnf.reshape(R, C, C).transpose(1, 0, 2).reshape(C, 8, 128)
    w2b = wnb.reshape(R, C, C).transpose(1, 0, 2).reshape(C, 8, 128)
    w2bd = (
        jnp.zeros((8, 2 * C, 2 * 128), jnp.float32)
        .at[:, :C, :128].set(w2f.transpose(1, 0, 2))
        .at[:, C:, 128:].set(w2b.transpose(1, 0, 2))
    )

    x2 = jnp.concatenate([x, jnp.zeros((N2 - N, C), x.dtype)])
    y = _tc_matmul(x2, cntp, w2bd)
    y2 = y.reshape(NC * N2 * R, C)

    acc = _sc_gather_scatter(ec3, y2)

    return _tc_final(x, lin_w, lin_b.reshape(1, C), acc)

# --- scband reference (transcript-rebuilt; emitter-appended) ---
"""Pipeline reference for scband-two-way-gcnconv-28338194219470 (READ-ONLY COPY).

The authoritative reference and input builder live on the scoring server;
editing this copy changes nothing except your own understanding.
"""

import jax, jax.numpy as jnp
import numpy as np

N = 10000
E = 160000
IN_C = 16
OUT_C = 16
NUM_RELS = 64


def setup_inputs(seed: int = 0) -> dict:
    key = jax.random.key(seed)
    k1, k2, k3, k4, k5, k6, k7 = jax.random.split(key, 7)
    x = jax.random.normal(k1, (N, IN_C), dtype=jnp.float32)
    edge_index = jax.random.randint(k2, (2, E), 0, N, dtype=jnp.int32)
    edge_type = jax.random.randint(k3, (E,), 0, NUM_RELS, dtype=jnp.int32)
    lin_w = jax.random.normal(k4, (OUT_C, IN_C), dtype=jnp.float32) * (1.0 / np.sqrt(IN_C))
    lin_b = jax.random.normal(k5, (OUT_C,), dtype=jnp.float32) * 0.01
    fwd_table = jax.random.normal(k6, (NUM_RELS, IN_C * OUT_C), dtype=jnp.float32)
    bwd_table = jax.random.normal(k7, (NUM_RELS, IN_C * OUT_C), dtype=jnp.float32)
    return {"x": x, "edge_index": edge_index, "edge_type": edge_type,
            "lin_w": lin_w, "lin_b": lin_b,
            "fwd_table": fwd_table, "bwd_table": bwd_table}


def _type_gcn_conv(x, edge_index, edge_type, table):
    src = edge_index[0]
    dst = edge_index[1]
    # degrees[e] = number of edges sharing the same src node as edge e, plus 1.
    # Mathematically identical to (src[:,None]==src[None,:]).sum(1)+1, computed
    # via bincount+gather to avoid materializing an E x E matrix.
    deg = jnp.bincount(src, length=N)[src].astype(jnp.float32) + 1.0
    ew = jnp.take(table, edge_type, axis=0)  # [E, IN_C*OUT_C]
    ew = ew / (jnp.linalg.norm(ew, axis=1, keepdims=True) + 0.01)
    ew = ew / deg[:, None]
    ew = ew.reshape(-1, IN_C, OUT_C)  # [E, IN_C, OUT_C]
    x_j = jnp.take(x, src, axis=0)  # [E, IN_C]
    msg = jnp.einsum('ij,ijk->ik', x_j, ew)  # [E, OUT_C]
    out = jnp.zeros((N, OUT_C), dtype=x.dtype).at[dst].add(msg)
    return out


def reference(x, edge_index, edge_type, lin_w, lin_b, fwd_table, bwd_table):
    forward_edge_index = edge_index
    backward_edge_index = jnp.stack([edge_index[1], edge_index[0]], axis=0)
    forward_x = _type_gcn_conv(x, forward_edge_index, edge_type, fwd_table)
    backward_x = _type_gcn_conv(x, backward_edge_index, edge_type, bwd_table)
    return x @ lin_w.T + lin_b + forward_x + backward_x

if __name__ == "__main__":
    import jax
    _d = setup_inputs()
    print(jax.jit(kernel)(*tuple(_d.values())))

</pallas_src>

<mosaic_0001>
#map = affine_map<(d0, d1) -> (0, 0, 0, 0)>
module attributes {stable_mosaic.version = 14 : i64} {
  func.func @_sc_counts(%arg0: i32, %arg1: i32, %arg2: memref<3x16x80x128xi32, #tpu.memory_space<hbm>>, %arg3: memref<2x16x80x128xf32, #tpu.memory_space<hbm>>, %arg4: memref<80x128xi32, #tpu.memory_space<vmem>>, %arg5: memref<80x128xf32, #tpu.memory_space<vmem>>) attributes {dimension_semantics = [#tpu.dimension_semantics<core_parallel>, #tpu.dimension_semantics<subcore_parallel>], iteration_bounds = array<i64: 2, 16>, scalar_prefetch = 0 : i64, scratch_operands = 2 : i64, tpu.core_type = #tpu.core_type<sc_vector_subcore>, window_params = [{transform_indices = #map}, {transform_indices = #map}]} {
    "tpu.region"() ({
      %run_scoped3A = tpu.sem_alloc : memref<!tpu.dma_semaphore, #tpu.memory_space<semaphore_mem>>
      %dma_start3A = arith.constant 0 : i32
      %dma_start3A_14 = arith.constant 0 : i32
      %dma_start3A_15 = tpu.memref_slice %arg2[%arg0, %arg1, %dma_start3A, %dma_start3A_14] : memref<3x16x80x128xi32, #tpu.memory_space<hbm>> -> memref<1x1x80x128xi32, #tpu.memory_space<hbm>>
      %dma_start3A_16 = tpu.memref_squeeze %dma_start3A_15 : memref<1x1x80x128xi32, #tpu.memory_space<hbm>> -> memref<80x128xi32, #tpu.memory_space<hbm>>
      %dma_start3A_17 = arith.constant 0 : i32
      %dma_start3A_18 = arith.constant 0 : i32
      %dma_start3A_19 = tpu.memref_slice %arg2[%arg0, %arg1, %dma_start3A_17, %dma_start3A_18] : memref<3x16x80x128xi32, #tpu.memory_space<hbm>> -> memref<1x1x80x128xi32, #tpu.memory_space<hbm>>
      %dma_start3A_20 = tpu.memref_squeeze %dma_start3A_19 : memref<1x1x80x128xi32, #tpu.memory_space<hbm>> -> memref<80x128xi32, #tpu.memory_space<hbm>>
      tpu.enqueue_dma source(%dma_start3A_20 : memref<80x128xi32, #tpu.memory_space<hbm>>) target(%arg4 : memref<80x128xi32, #tpu.memory_space<vmem>>) target_semaphore(%run_scoped3A : memref<!tpu.dma_semaphore, #tpu.memory_space<semaphore_mem>>)
      %dma_wait3A = arith.constant 0 : i32
      %dma_wait3A_21 = arith.constant 0 : i32
      %dma_wait3A_22 = tpu.memref_slice %arg2[%arg0, %arg1, %dma_wait3A, %dma_wait3A_21] : memref<3x16x80x128xi32, #tpu.memory_space<hbm>> -> memref<1x1x80x128xi32, #tpu.memory_space<hbm>>
      %dma_wait3A_23 = tpu.memref_squeeze %dma_wait3A_22 : memref<1x1x80x128xi32, #tpu.memory_space<hbm>> -> memref<80x128xi32, #tpu.memory_space<hbm>>
      %dma_wait3A_24 = arith.constant 0 : i32
      %dma_wait3A_25 = arith.constant 0 : i32
      %dma_wait3A_26 = tpu.memref_slice %arg2[%arg0, %arg1, %dma_wait3A_24, %dma_wait3A_25] : memref<3x16x80x128xi32, #tpu.memory_space<hbm>> -> memref<1x1x80x128xi32, #tpu.memory_space<hbm>>
      %dma_wait3A_27 = tpu.memref_squeeze %dma_wait3A_26 : memref<1x1x80x128xi32, #tpu.memory_space<hbm>> -> memref<80x128xi32, #tpu.memory_space<hbm>>
      tpu.wait_dma2 semaphore(%run_scoped3A : memref<!tpu.dma_semaphore, #tpu.memory_space<semaphore_mem>>) src(%dma_wait3A_27 : memref<80x128xi32, #tpu.memory_space<hbm>>) dst(%arg4 : memref<80x128xi32, #tpu.memory_space<vmem>>)
      tpu.yield
    }) : () -> ()
    %broadcast_in_dim3A = arith.constant 0.000000e+00 : f32
    %broadcast_in_dim3A_0 = vector.broadcast %broadcast_in_dim3A : f32 to vector<16xf32>
    %scan3A = arith.constant 0 : i32
    %scan3A_1 = arith.constant 0 : i32
    %scan3A_2 = arith.constant 80 : i32
    %scan3A_3 = arith.addi %scan3A_1, %scan3A_2 : i32
    %scan3A_4 = arith.constant 1 : i32
    scf.for %scan3A_14 = %scan3A_1 to %scan3A_3 step %scan3A_4  : i32 {
      %swap3A = arith.index_cast %scan3A_14 : i32 to index
      %swap3A_15 = arith.constant 0 : index
      %swap3A_16 = tpu.vector_load %arg5[%swap3A, %swap3A_15] {strides = array<i32>} : memref<80x128xf32, #tpu.memory_space<vmem>>, vector<16xf32>,
      tpu.vector_store %arg5[%swap3A, %swap3A_15], %broadcast_in_dim3A_0 {strides = array<i32>} : memref<80x128xf32, #tpu.memory_space<vmem>>, vector<16xf32>,
      %swap3A_17 = arith.index_cast %scan3A_14 : i32 to index
      %swap3A_18 = arith.constant 16 : index
      %swap3A_19 = tpu.vector_load %arg5[%swap3A_17, %swap3A_18] {strides = array<i32>} : memref<80x128xf32, #tpu.memory_space<vmem>>, vector<16xf32>,
      tpu.vector_store %arg5[%swap3A_17, %swap3A_18], %broadcast_in_dim3A_0 {strides = array<i32>} : memref<80x128xf32, #tpu.memory_space<vmem>>, vector<16xf32>,
      %swap3A_20 = arith.index_cast %scan3A_14 : i32 to index
      %swap3A_21 = arith.constant 32 : index
      %swap3A_22 = tpu.vector_load %arg5[%swap3A_20, %swap3A_21] {strides = array<i32>} : memref<80x128xf32, #tpu.memory_space<vmem>>, vector<16xf32>,
      tpu.vector_store %arg5[%swap3A_20, %swap3A_21], %broadcast_in_dim3A_0 {strides = array<i32>} : memref<80x128xf32, #tpu.memory_space<vmem>>, vector<16xf32>,
      %swap3A_23 = arith.index_cast %scan3A_14 : i32 to index
      %swap3A_24 = arith.constant 48 : index
      %swap3A_25 = tpu.vector_load %arg5[%swap3A_23, %swap3A_24] {strides = array<i32>} : memref<80x128xf32, #tpu.memory_space<vmem>>, vector<16xf32>,
      tpu.vector_store %arg5[%swap3A_23, %swap3A_24], %broadcast_in_dim3A_0 {strides = array<i32>} : memref<80x128xf32, #tpu.memory_space<vmem>>, vector<16xf32>,
      %swap3A_26 = arith.index_cast %scan3A_14 : i32 to index
      %swap3A_27 = arith.constant 64 : index
      %swap3A_28 = tpu.vector_load %arg5[%swap3A_26, %swap3A_27] {strides = array<i32>} : memref<80x128xf32, #tpu.memory_space<vmem>>, vector<16xf32>,
      tpu.vector_store %arg5[%swap3A_26, %swap3A_27], %broadcast_in_dim3A_0 {strides = array<i32>} : memref<80x128xf32, #tpu.memory_space<vmem>>, vector<16xf32>,
      %swap3A_29 = arith.index_cast %scan3A_14 : i32 to index
      %swap3A_30 = arith.constant 80 : index
      %swap3A_31 = tpu.vector_load %arg5[%swap3A_29, %swap3A_30] {strides = array<i32>} : memref<80x128xf32, #tpu.memory_space<vmem>>, vector<16xf32>,
      tpu.vector_store %arg5[%swap3A_29, %swap3A_30], %broadcast_in_dim3A_0 {strides = array<i32>} : memref<80x128xf32, #tpu.memory_space<vmem>>, vector<16xf32>,
      %swap3A_32 = arith.index_cast %scan3A_14 : i32 to index
      %swap3A_33 = arith.constant 96 : index
      %swap3A_34 = tpu.vector_load %arg5[%swap3A_32, %swap3A_33] {strides = array<i32>} : memref<80x128xf32, #tpu.memory_space<vmem>>, vector<16xf32>,
      tpu.vector_store %arg5[%swap3A_32, %swap3A_33], %broadcast_in_dim3A_0 {strides = array<i32>} : memref<80x128xf32, #tpu.memory_space<vmem>>, vector<16xf32>,
      %swap3A_35 = arith.index_cast %scan3A_14 : i32 to index
      %swap3A_36 = arith.constant 112 : index
      %swap3A_37 = tpu.vector_load %arg5[%swap3A_35, %swap3A_36] {strides = array<i32>} : memref<80x128xf32, #tpu.memory_space<vmem>>, vector<16xf32>,
      tpu.vector_store %arg5[%swap3A_35, %swap3A_36], %broadcast_in_dim3A_0 {strides = array<i32>} : memref<80x128xf32, #tpu.memory_space<vmem>>, vector<16xf32>,
    }
    %scan3A_5 = arith.constant 80 : i32
    %broadcast_in_dim3A_6 = arith.constant 1.000000e+00 : f32
    %broadcast_in_dim3A_7 = vector.broadcast %broadcast_in_dim3A_6 : f32 to vector<16xf32>
    %scan3A_8 = arith.constant 0 : i32
    %scan3A_9 = arith.constant 0 : i32
    %scan3A_10 = arith.constant 80 : i32
    %scan3A_11 = arith.addi %scan3A_9, %scan3A_10 : i32
    %scan3A_12 = arith.constant 1 : i32
    scf.for %scan3A_14 = %scan3A_9 to %scan3A_11 step %scan3A_12  : i32 {
      %get3A = arith.index_cast %scan3A_14 : i32 to index
      %get3A_15 = arith.constant 0 : index
      %get3A_16 = tpu.vector_load %arg4[%get3A, %get3A_15] {strides = array<i32>} : memref<80x128xi32, #tpu.memory_space<vmem>>, vector<16xi32>,
      %shift_right_arithmetic3A = arith.constant 7 : i32
      %shift_right_arithmetic3A_17 = vector.broadcast %shift_right_arithmetic3A : i32 to vector<16xi32>
      %shift_right_arithmetic3A_18 = arith.shrsi %get3A_16, %shift_right_arithmetic3A_17 : vector<16xi32>
      %and3A = arith.constant 127 : i32
      %and3A_19 = vector.broadcast %and3A : i32 to vector<16xi32>
      %and3A_20 = arith.andi %get3A_16, %and3A_19 : vector<16xi32>
      tpu.vector_store_idx %arg5[%shift_right_arithmetic3A_18, %and3A_20], %broadcast_in_dim3A_7 {add = true} : memref<80x128xf32, #tpu.memory_space<vmem>>[vector<16xi32>, vector<16xi32>], vector<16xf32>,
      %get3A_21 = arith.index_cast %scan3A_14 : i32 to index
      %get3A_22 = arith.constant 16 : index
      %get3A_23 = tpu.vector_load %arg4[%get3A_21, %get3A_22] {strides = array<i32>} : memref<80x128xi32, #tpu.memory_space<vmem>>, vector<16xi32>,
      %shift_right_arithmetic3A_24 = arith.constant 7 : i32
      %shift_right_arithmetic3A_25 = vector.broadcast %shift_right_arithmetic3A_24 : i32 to vector<16xi32>
      %shift_right_arithmetic3A_26 = arith.shrsi %get3A_23, %shift_right_arithmetic3A_25 : vector<16xi32>
      %and3A_27 = arith.constant 127 : i32
      %and3A_28 = vector.broadcast %and3A_27 : i32 to vector<16xi32>
      %and3A_29 = arith.andi %get3A_23, %and3A_28 : vector<16xi32>
      tpu.vector_store_idx %arg5[%shift_right_arithmetic3A_26, %and3A_29], %broadcast_in_dim3A_7 {add = true} : memref<80x128xf32, #tpu.memory_space<vmem>>[vector<16xi32>, vector<16xi32>], vector<16xf32>,
      %get3A_30 = arith.index_cast %scan3A_14 : i32 to index
      %get3A_31 = arith.constant 32 : index
      %get3A_32 = tpu.vector_load %arg4[%get3A_30, %get3A_31] {strides = array<i32>} : memref<80x128xi32, #tpu.memory_space<vmem>>, vector<16xi32>,
      %shift_right_arithmetic3A_33 = arith.constant 7 : i32
      %shift_right_arithmetic3A_34 = vector.broadcast %shift_right_arithmetic3A_33 : i32 to vector<16xi32>
      %shift_right_arithmetic3A_35 = arith.shrsi %get3A_32, %shift_right_arithmetic3A_34 : vector<16xi32>
      %and3A_36 = arith.constant 127 : i32
      %and3A_37 = vector.broadcast %and3A_36 : i32 to vector<16xi32>
      %and3A_38 = arith.andi %get3A_32, %and3A_37 : vector<16xi32>
      tpu.vector_store_idx %arg5[%shift_right_arithmetic3A_35, %and3A_38], %broadcast_in_dim3A_7 {add = true} : memref<80x128xf32, #tpu.memory_space<vmem>>[vector<16xi32>, vector<16xi32>], vector<16xf32>,
      %get3A_39 = arith.index_cast %scan3A_14 : i32 to index
      %get3A_40 = arith.constant 48 : index
      %get3A_41 = tpu.vector_load %arg4[%get3A_39, %get3A_40] {strides = array<i32>} : memref<80x128xi32, #tpu.memory_space<vmem>>, vector<16xi32>,
      %shift_right_arithmetic3A_42 = arith.constant 7 : i32
      %shift_right_arithmetic3A_43 = vector.broadcast %shift_right_arithmetic3A_42 : i32 to vector<16xi32>
      %shift_right_arithmetic3A_44 = arith.shrsi %get3A_41, %shift_right_arithmetic3A_43 : vector<16xi32>
      %and3A_45 = arith.constant 127 : i32
      %and3A_46 = vector.broadcast %and3A_45 : i32 to vector<16xi32>
      %and3A_47 = arith.andi %get3A_41, %and3A_46 : vector<16xi32>
      tpu.vector_store_idx %arg5[%shift_right_arithmetic3A_44, %and3A_47], %broadcast_in_dim3A_7 {add = true} : memref<80x128xf32, #tpu.memory_space<vmem>>[vector<16xi32>, vector<16xi32>], vector<16xf32>,
      %get3A_48 = arith.index_cast %scan3A_14 : i32 to index
      %get3A_49 = arith.constant 64 : index
      %get3A_50 = tpu.vector_load %arg4[%get3A_48, %get3A_49] {strides = array<i32>} : memref<80x128xi32, #tpu.memory_space<vmem>>, vector<16xi32>,
      %shift_right_arithmetic3A_51 = arith.constant 7 : i32
      %shift_right_arithmetic3A_52 = vector.broadcast %shift_right_arithmetic3A_51 : i32 to vector<16xi32>
      %shift_right_arithmetic3A_53 = arith.shrsi %get3A_50, %shift_right_arithmetic3A_52 : vector<16xi32>
      %and3A_54 = arith.constant 127 : i32
      %and3A_55 = vector.broadcast %and3A_54 : i32 to vector<16xi32>
      %and3A_56 = arith.andi %get3A_50, %and3A_55 : vector<16xi32>
      tpu.vector_store_idx %arg5[%shift_right_arithmetic3A_53, %and3A_56], %broadcast_in_dim3A_7 {add = true} : memref<80x128xf32, #tpu.memory_space<vmem>>[vector<16xi32>, vector<16xi32>], vector<16xf32>,
      %get3A_57 = arith.index_cast %scan3A_14 : i32 to index
      %get3A_58 = arith.constant 80 : index
      %get3A_59 = tpu.vector_load %arg4[%get3A_57, %get3A_58] {strides = array<i32>} : memref<80x128xi32, #tpu.memory_space<vmem>>, vector<16xi32>,
      %shift_right_arithmetic3A_60 = arith.constant 7 : i32
      %shift_right_arithmetic3A_61 = vector.broadcast %shift_right_arithmetic3A_60 : i32 to vector<16xi32>
      %shift_right_arithmetic3A_62 = arith.shrsi %get3A_59, %shift_right_arithmetic3A_61 : vector<16xi32>
      %and3A_63 = arith.constant 127 : i32
      %and3A_64 = vector.broadcast %and3A_63 : i32 to vector<16xi32>
      %and3A_65 = arith.andi %get3A_59, %and3A_64 : vector<16xi32>
      tpu.vector_store_idx %arg5[%shift_right_arithmetic3A_62, %and3A_65], %broadcast_in_dim3A_7 {add = true} : memref<80x128xf32, #tpu.memory_space<vmem>>[vector<16xi32>, vector<16xi32>], vector<16xf32>,
      %get3A_66 = arith.index_cast %scan3A_14 : i32 to index
      %get3A_67 = arith.constant 96 : index
      %get3A_68 = tpu.vector_load %arg4[%get3A_66, %get3A_67] {strides = array<i32>} : memref<80x128xi32, #tpu.memory_space<vmem>>, vector<16xi32>,
      %shift_right_arithmetic3A_69 = arith.constant 7 : i32
      %shift_right_arithmetic3A_70 = vector.broadcast %shift_right_arithmetic3A_69 : i32 to vector<16xi32>
      %shift_right_arithmetic3A_71 = arith.shrsi %get3A_68, %shift_right_arithmetic3A_70 : vector<16xi32>
      %and3A_72 = arith.constant 127 : i32
      %and3A_73 = vector.broadcast %and3A_72 : i32 to vector<16xi32>
      %and3A_74 = arith.andi %get3A_68, %and3A_73 : vector<16xi32>
      tpu.vector_store_idx %arg5[%shift_right_arithmetic3A_71, %and3A_74], %broadcast_in_dim3A_7 {add = true} : memref<80x128xf32, #tpu.memory_space<vmem>>[vector<16xi32>, vector<16xi32>], vector<16xf32>,
      %get3A_75 = arith.index_cast %scan3A_14 : i32 to index
      %get3A_76 = arith.constant 112 : index
      %get3A_77 = tpu.vector_load %arg4[%get3A_75, %get3A_76] {strides = array<i32>} : memref<80x128xi32, #tpu.memory_space<vmem>>, vector<16xi32>,
      %shift_right_arithmetic3A_78 = arith.constant 7 : i32
      %shift_right_arithmetic3A_79 = vector.broadcast %shift_right_arithmetic3A_78 : i32 to vector<16xi32>
      %shift_right_arithmetic3A_80 = arith.shrsi %get3A_77, %shift_right_arithmetic3A_79 : vector<16xi32>
      %and3A_81 = arith.constant 127 : i32
      %and3A_82 = vector.broadcast %and3A_81 : i32 to vector<16xi32>
      %and3A_83 = arith.andi %get3A_77, %and3A_82 : vector<16xi32>
      tpu.vector_store_idx %arg5[%shift_right_arithmetic3A_80, %and3A_83], %broadcast_in_dim3A_7 {add = true} : memref<80x128xf32, #tpu.memory_space<vmem>>[vector<16xi32>, vector<16xi32>], vector<16xf32>,
    }
    %scan3A_13 = arith.constant 80 : i32
    "tpu.region"() ({
      %run_scoped3A = tpu.sem_alloc : memref<!tpu.dma_semaphore, #tpu.memory_space<semaphore_mem>>
      %dma_start3A = arith.constant 0 : i32
      %dma_start3A_14 = arith.constant 0 : i32
      %dma_start3A_15 = tpu.memref_slice %arg3[%arg0, %arg1, %dma_start3A, %dma_start3A_14] : memref<2x16x80x128xf32, #tpu.memory_space<hbm>> -> memref<1x1x80x128xf32, #tpu.memory_space<hbm>>
      %dma_start3A_16 = tpu.memref_squeeze %dma_start3A_15 : memref<1x1x80x128xf32, #tpu.memory_space<hbm>> -> memref<80x128xf32, #tpu.memory_space<hbm>>
      %dma_start3A_17 = arith.constant 0 : i32
      %dma_start3A_18 = arith.constant 0 : i32
      %dma_start3A_19 = tpu.memref_slice %arg3[%arg0, %arg1, %dma_start3A_17, %dma_start3A_18] : memref<2x16x80x128xf32, #tpu.memory_space<hbm>> -> memref<1x1x80x128xf32, #tpu.memory_space<hbm>>
      %dma_start3A_20 = tpu.memref_squeeze %dma_start3A_19 : memref<1x1x80x128xf32, #tpu.memory_space<hbm>> -> memref<80x128xf32, #tpu.memory_space<hbm>>
      tpu.enqueue_dma source(%arg5 : memref<80x128xf32, #tpu.memory_space<vmem>>) target(%dma_start3A_20 : memref<80x128xf32, #tpu.memory_space<hbm>>) target_semaphore(%run_scoped3A : memref<!tpu.dma_semaphore, #tpu.memory_space<semaphore_mem>>)
      %dma_wait3A = arith.constant 0 : i32
      %dma_wait3A_21 = arith.constant 0 : i32
      %dma_wait3A_22 = tpu.memref_slice %arg3[%arg0, %arg1, %dma_wait3A, %dma_wait3A_21] : memref<2x16x80x128xf32, #tpu.memory_space<hbm>> -> memref<1x1x80x128xf32, #tpu.memory_space<hbm>>
      %dma_wait3A_23 = tpu.memref_squeeze %dma_wait3A_22 : memref<1x1x80x128xf32, #tpu.memory_space<hbm>> -> memref<80x128xf32, #tpu.memory_space<hbm>>
      %dma_wait3A_24 = arith.constant 0 : i32
      %dma_wait3A_25 = arith.constant 0 : i32
      %dma_wait3A_26 = tpu.memref_slice %arg3[%arg0, %arg1, %dma_wait3A_24, %dma_wait3A_25] : memref<2x16x80x128xf32, #tpu.memory_space<hbm>> -> memref<1x1x80x128xf32, #tpu.memory_space<hbm>>
      %dma_wait3A_27 = tpu.memref_squeeze %dma_wait3A_26 : memref<1x1x80x128xf32, #tpu.memory_space<hbm>> -> memref<80x128xf32, #tpu.memory_space<hbm>>
      tpu.wait_dma2 semaphore(%run_scoped3A : memref<!tpu.dma_semaphore, #tpu.memory_space<semaphore_mem>>) src(%arg5 : memref<80x128xf32, #tpu.memory_space<vmem>>) dst(%dma_wait3A_27 : memref<80x128xf32, #tpu.memory_space<hbm>>)
      tpu.yield
    }) : () -> ()
    return
  }
}

#map = affine_map<(d0, d1) -> (0, 0, 0, 0)>
#map1 = affine_map<(d0, d1) -> (0, 0)>
#map2 = affine_map<(d0, d1) -> (0, 0, 0)>
module attributes {stable_mosaic.version = 14 : i64} {
  func.func @_sc_gather_scatter(%arg0: i32, %arg1: i32, %arg2: memref<3x16x80x128xi32, #tpu.memory_space<hbm>>, %arg3: memref<1310720x16xf32, #tpu.memory_space<hbm>>, %arg4: memref<2x10240x16xf32, #tpu.memory_space<hbm>>, %arg5: memref<80x128xi32, #tpu.memory_space<vmem>>, %arg6: memref<80x128xi32, #tpu.memory_space<vmem>>, %arg7: memref<80x128xi32, #tpu.memory_space<vmem>>, %arg8: memref<128x16xf32, #tpu.memory_space<vmem>>, %arg9: memref<128x16xf32, #tpu.memory_space<vmem>>, %arg10: memref<128x16xf32, #tpu.memory_space<vmem>>, %arg11: memref<128x16xf32, #tpu.memory_space<vmem>>, %arg12: memref<128x16xf32, #tpu.memory_space<vmem>>, %arg13: memref<128x16xf32, #tpu.memory_space<vmem>>, %arg14: memref<128x16xf32, #tpu.memory_space<vmem>>, %arg15: memref<128x16xf32, #tpu.memory_space<vmem>>, %arg16: memref<128x16xf32, #tpu.memory_space<vmem>>, %arg17: memref<!tpu.dma_semaphore, #tpu.memory_space<semaphore_mem>>, %arg18: memref<!tpu.dma_semaphore, #tpu.memory_space<semaphore_mem>>, %arg19: memref<!tpu.dma_semaphore, #tpu.memory_space<semaphore_mem>>, %arg20: memref<!tpu.dma_semaphore, #tpu.memory_space<semaphore_mem>>, %arg21: memref<!tpu.dma_semaphore, #tpu.memory_space<semaphore_mem>>, %arg22: memref<!tpu.dma_semaphore, #tpu.memory_space<semaphore_mem>>, %arg23: memref<!tpu.dma_semaphore, #tpu.memory_space<semaphore_mem>>, %arg24: memref<!tpu.dma_semaphore, #tpu.memory_space<semaphore_mem>>, %arg25: memref<!tpu.dma_semaphore, #tpu.memory_space<semaphore_mem>>, %arg26: memref<!tpu.dma_semaphore, #tpu.memory_space<semaphore_mem>>, %arg27: memref<!tpu.dma_semaphore, #tpu.memory_space<semaphore_mem>>, %arg28: memref<!tpu.dma_semaphore, #tpu.memory_space<semaphore_mem>>, %arg29: memref<!tpu.dma_semaphore, #tpu.memory_space<semaphore_mem>>, %arg30: memref<!tpu.dma_semaphore, #tpu.memory_space<semaphore_mem>>, %arg31: memref<!tpu.dma_semaphore, #tpu.memory_space<semaphore_mem>>, %arg32: memref<!tpu.dma_semaphore, #tpu.memory_space<semaphore_mem>>, %arg33: memref<10240x16xf32, #tpu.memory_space<vmem_shared>>) attributes {dimension_semantics = [#tpu.dimension_semantics<core_parallel>, #tpu.dimension_semantics<subcore_parallel>], iteration_bounds = array<i64: 2, 16>, scalar_prefetch = 0 : i64, scratch_operands = 29 : i64, tpu.core_type = #tpu.core_type<sc_vector_subcore>, window_params = [{transform_indices = #map}, {transform_indices = #map1}, {transform_indices = #map2}]} {
    %broadcast_in_dim3A = arith.constant 0.000000e+00 : f32
    %broadcast_in_dim3A_0 = vector.broadcast %broadcast_in_dim3A : f32 to vector<16xf32>
    %scan3A = arith.constant 0 : i32
    %scan3A_1 = arith.constant 0 : i32
    %scan3A_2 = arith.constant 128 : i32
    %scan3A_3 = arith.addi %scan3A_1, %scan3A_2 : i32
    %scan3A_4 = arith.constant 1 : i32
    scf.for %scan3A_98 = %scan3A_1 to %scan3A_3 step %scan3A_4  : i32 {
      %swap3A = arith.index_cast %scan3A_98 : i32 to index
      %swap3A_99 = arith.constant 0 : index
      %swap3A_100 = tpu.vector_load %arg16[%swap3A, %swap3A_99] {strides = array<i32>} : memref<128x16xf32, #tpu.memory_space<vmem>>, vector<16xf32>,
      tpu.vector_store %arg16[%swap3A, %swap3A_99], %broadcast_in_dim3A_0 {strides = array<i32>} : memref<128x16xf32, #tpu.memory_space<vmem>>, vector<16xf32>,
    }
    %scan3A_5 = arith.constant 128 : i32
    %mul3A = arith.constant 640 : i32
    %mul3A_6 = arith.muli %arg1, %mul3A : i32
    %add3A = arith.constant 0 : i32
    %add3A_7 = arith.addi %mul3A_6, %add3A : i32
    "tpu.region"() ({
      %run_scoped3A_98 = tpu.sem_alloc : memref<!tpu.dma_semaphore, #tpu.memory_space<semaphore_mem>>
      %dma_start3A_99 = arith.constant 0 : i32
      %dma_start3A_100 = tpu.memref_slice %arg33[%add3A_7, %dma_start3A_99] : memref<10240x16xf32, #tpu.memory_space<vmem_shared>> -> memref<128x16xf32, #tpu.memory_space<vmem_shared>>
      %dma_start3A_101 = arith.constant 0 : i32
      %dma_start3A_102 = tpu.memref_slice %arg33[%add3A_7, %dma_start3A_101] : memref<10240x16xf32, #tpu.memory_space<vmem_shared>> -> memref<128x16xf32, #tpu.memory_space<vmem_shared>>
      tpu.enqueue_dma source(%arg16 : memref<128x16xf32, #tpu.memory_space<vmem>>) target(%dma_start3A_102 : memref<128x16xf32, #tpu.memory_space<vmem_shared>>) target_semaphore(%run_scoped3A_98 : memref<!tpu.dma_semaphore, #tpu.memory_space<semaphore_mem>>)
      %dma_wait3A_103 = arith.constant 0 : i32
      %dma_wait3A_104 = tpu.memref_slice %arg33[%add3A_7, %dma_wait3A_103] : memref<10240x16xf32, #tpu.memory_space<vmem_shared>> -> memref<128x16xf32, #tpu.memory_space<vmem_shared>>
      %dma_wait3A_105 = arith.constant 0 : i32
      %dma_wait3A_106 = tpu.memref_slice %arg33[%add3A_7, %dma_wait3A_105] : memref<10240x16xf32, #tpu.memory_space<vmem_shared>> -> memref<128x16xf32, #tpu.memory_space<vmem_shared>>
      tpu.wait_dma2 semaphore(%run_scoped3A_98 : memref<!tpu.dma_semaphore, #tpu.memory_space<semaphore_mem>>) src(%arg16 : memref<128x16xf32, #tpu.memory_space<vmem>>) dst(%dma_wait3A_106 : memref<128x16xf32, #tpu.memory_space<vmem_shared>>)
      tpu.yield
    }) : () -> ()
    %mul3A_8 = arith.constant 640 : i32
    %mul3A_9 = arith.muli %arg1, %mul3A_8 : i32
    %add3A_10 = arith.constant 128 : i32
    %add3A_11 = arith.addi %mul3A_9, %add3A_10 : i32
    "tpu.region"() ({
      %run_scoped3A_98 = tpu.sem_alloc : memref<!tpu.dma_semaphore, #tpu.memory_space<semaphore_mem>>
      %dma_start3A_99 = arith.constant 0 : i32
      %dma_start3A_100 = tpu.memref_slice %arg33[%add3A_11, %dma_start3A_99] : memref<10240x16xf32, #tpu.memory_space<vmem_shared>> -> memref<128x16xf32, #tpu.memory_space<vmem_shared>>
      %dma_start3A_101 = arith.constant 0 : i32
      %dma_start3A_102 = tpu.memref_slice %arg33[%add3A_11, %dma_start3A_101] : memref<10240x16xf32, #tpu.memory_space<vmem_shared>> -> memref<128x16xf32, #tpu.memory_space<vmem_shared>>
      tpu.enqueue_dma source(%arg16 : memref<128x16xf32, #tpu.memory_space<vmem>>) target(%dma_start3A_102 : memref<128x16xf32, #tpu.memory_space<vmem_shared>>) target_semaphore(%run_scoped3A_98 : memref<!tpu.dma_semaphore, #tpu.memory_space<semaphore_mem>>)
      %dma_wait3A_103 = arith.constant 0 : i32
      %dma_wait3A_104 = tpu.memref_slice %arg33[%add3A_11, %dma_wait3A_103] : memref<10240x16xf32, #tpu.memory_space<vmem_shared>> -> memref<128x16xf32, #tpu.memory_space<vmem_shared>>
      %dma_wait3A_105 = arith.constant 0 : i32
      %dma_wait3A_106 = tpu.memref_slice %arg33[%add3A_11, %dma_wait3A_105] : memref<10240x16xf32, #tpu.memory_space<vmem_shared>> -> memref<128x16xf32, #tpu.memory_space<vmem_shared>>
      tpu.wait_dma2 semaphore(%run_scoped3A_98 : memref<!tpu.dma_semaphore, #tpu.memory_space<semaphore_mem>>) src(%arg16 : memref<128x16xf32, #tpu.memory_space<vmem>>) dst(%dma_wait3A_106 : memref<128x16xf32, #tpu.memory_space<vmem_shared>>)
      tpu.yield
    }) : () -> ()
    %mul3A_12 = arith.constant 640 : i32
    %mul3A_13 = arith.muli %arg1, %mul3A_12 : i32
    %add3A_14 = arith.constant 256 : i32
    %add3A_15 = arith.addi %mul3A_13, %add3A_14 : i32
    "tpu.region"() ({
      %run_scoped3A_98 = tpu.sem_alloc : memref<!tpu.dma_semaphore, #tpu.memory_space<semaphore_mem>>
      %dma_start3A_99 = arith.constant 0 : i32
      %dma_start3A_100 = tpu.memref_slice %arg33[%add3A_15, %dma_start3A_99] : memref<10240x16xf32, #tpu.memory_space<vmem_shared>> -> memref<128x16xf32, #tpu.memory_space<vmem_shared>>
      %dma_start3A_101 = arith.constant 0 : i32
      %dma_start3A_102 = tpu.memref_slice %arg33[%add3A_15, %dma_start3A_101] : memref<10240x16xf32, #tpu.memory_space<vmem_shared>> -> memref<128x16xf32, #tpu.memory_space<vmem_shared>>
      tpu.enqueue_dma source(%arg16 : memref<128x16xf32, #tpu.memory_space<vmem>>) target(%dma_start3A_102 : memref<128x16xf32, #tpu.memory_space<vmem_shared>>) target_semaphore(%run_scoped3A_98 : memref<!tpu.dma_semaphore, #tpu.memory_space<semaphore_mem>>)
      %dma_wait3A_103 = arith.constant 0 : i32
      %dma_wait3A_104 = tpu.memref_slice %arg33[%add3A_15, %dma_wait3A_103] : memref<10240x16xf32, #tpu.memory_space<vmem_shared>> -> memref<128x16xf32, #tpu.memory_space<vmem_shared>>
      %dma_wait3A_105 = arith.constant 0 : i32
      %dma_wait3A_106 = tpu.memref_slice %arg33[%add3A_15, %dma_wait3A_105] : memref<10240x16xf32, #tpu.memory_space<vmem_shared>> -> memref<128x16xf32, #tpu.memory_space<vmem_shared>>
      tpu.wait_dma2 semaphore(%run_scoped3A_98 : memref<!tpu.dma_semaphore, #tpu.memory_space<semaphore_mem>>) src(%arg16 : memref<128x16xf32, #tpu.memory_space<vmem>>) dst(%dma_wait3A_106 : memref<128x16xf32, #tpu.memory_space<vmem_shared>>)
      tpu.yield
    }) : () -> ()
    %mul3A_16 = arith.constant 640 : i32
    %mul3A_17 = arith.muli %arg1, %mul3A_16 : i32
    %add3A_18 = arith.constant 384 : i32
    %add3A_19 = arith.addi %mul3A_17, %add3A_18 : i32
    "tpu.region"() ({
      %run_scoped3A_98 = tpu.sem_alloc : memref<!tpu.dma_semaphore, #tpu.memory_space<semaphore_mem>>
      %dma_start3A_99 = arith.constant 0 : i32
      %dma_start3A_100 = tpu.memref_slice %arg33[%add3A_19, %dma_start3A_99] : memref<10240x16xf32, #tpu.memory_space<vmem_shared>> -> memref<128x16xf32, #tpu.memory_space<vmem_shared>>
      %dma_start3A_101 = arith.constant 0 : i32
      %dma_start3A_102 = tpu.memref_slice %arg33[%add3A_19, %dma_start3A_101] : memref<10240x16xf32, #tpu.memory_space<vmem_shared>> -> memref<128x16xf32, #tpu.memory_space<vmem_shared>>
      tpu.enqueue_dma source(%arg16 : memref<128x16xf32, #tpu.memory_space<vmem>>) target(%dma_start3A_102 : memref<128x16xf32, #tpu.memory_space<vmem_shared>>) target_semaphore(%run_scoped3A_98 : memref<!tpu.dma_semaphore, #tpu.memory_space<semaphore_mem>>)
      %dma_wait3A_103 = arith.constant 0 : i32
      %dma_wait3A_104 = tpu.memref_slice %arg33[%add3A_19, %dma_wait3A_103] : memref<10240x16xf32, #tpu.memory_space<vmem_shared>> -> memref<128x16xf32, #tpu.memory_space<vmem_shared>>
      %dma_wait3A_105 = arith.constant 0 : i32
      %dma_wait3A_106 = tpu.memref_slice %arg33[%add3A_19, %dma_wait3A_105] : memref<10240x16xf32, #tpu.memory_space<vmem_shared>> -> memref<128x16xf32, #tpu.memory_space<vmem_shared>>
      tpu.wait_dma2 semaphore(%run_scoped3A_98 : memref<!tpu.dma_semaphore, #tpu.memory_space<semaphore_mem>>) src(%arg16 : memref<128x16xf32, #tpu.memory_space<vmem>>) dst(%dma_wait3A_106 : memref<128x16xf32, #tpu.memory_space<vmem_shared>>)
      tpu.yield
    }) : () -> ()
    %mul3A_20 = arith.constant 640 : i32
    %mul3A_21 = arith.muli %arg1, %mul3A_20 : i32
    %add3A_22 = arith.constant 512 : i32
    %add3A_23 = arith.addi %mul3A_21, %add3A_22 : i32
    "tpu.region"() ({
      %run_scoped3A_98 = tpu.sem_alloc : memref<!tpu.dma_semaphore, #tpu.memory_space<semaphore_mem>>
      %dma_start3A_99 = arith.constant 0 : i32
      %dma_start3A_100 = tpu.memref_slice %arg33[%add3A_23, %dma_start3A_99] : memref<10240x16xf32, #tpu.memory_space<vmem_shared>> -> memref<128x16xf32, #tpu.memory_space<vmem_shared>>
      %dma_start3A_101 = arith.constant 0 : i32
      %dma_start3A_102 = tpu.memref_slice %arg33[%add3A_23, %dma_start3A_101] : memref<10240x16xf32, #tpu.memory_space<vmem_shared>> -> memref<128x16xf32, #tpu.memory_space<vmem_shared>>
      tpu.enqueue_dma source(%arg16 : memref<128x16xf32, #tpu.memory_space<vmem>>) target(%dma_start3A_102 : memref<128x16xf32, #tpu.memory_space<vmem_shared>>) target_semaphore(%run_scoped3A_98 : memref<!tpu.dma_semaphore, #tpu.memory_space<semaphore_mem>>)
      %dma_wait3A_103 = arith.constant 0 : i32
      %dma_wait3A_104 = tpu.memref_slice %arg33[%add3A_23, %dma_wait3A_103] : memref<10240x16xf32, #tpu.memory_space<vmem_shared>> -> memref<128x16xf32, #tpu.memory_space<vmem_shared>>
      %dma_wait3A_105 = arith.constant 0 : i32
      %dma_wait3A_106 = tpu.memref_slice %arg33[%add3A_23, %dma_wait3A_105] : memref<10240x16xf32, #tpu.memory_space<vmem_shared>> -> memref<128x16xf32, #tpu.memory_space<vmem_shared>>
      tpu.wait_dma2 semaphore(%run_scoped3A_98 : memref<!tpu.dma_semaphore, #tpu.memory_space<semaphore_mem>>) src(%arg16 : memref<128x16xf32, #tpu.memory_space<vmem>>) dst(%dma_wait3A_106 : memref<128x16xf32, #tpu.memory_space<vmem_shared>>)
      tpu.yield
    }) : () -> ()
    %barrier3A = arith.constant 0 : index
    tpu.barrier barrier_id(%barrier3A)
    "tpu.region"() ({
      %run_scoped3A_98 = tpu.sem_alloc : memref<!tpu.dma_semaphore, #tpu.memory_space<semaphore_mem>>
      %dma_start3A_99 = arith.constant 0 : i32
      %dma_start3A_100 = arith.constant 0 : i32
      %dma_start3A_101 = tpu.memref_slice %arg2[%arg0, %arg1, %dma_start3A_99, %dma_start3A_100] : memref<3x16x80x128xi32, #tpu.memory_space<hbm>> -> memref<1x1x80x128xi32, #tpu.memory_space<hbm>>
      %dma_start3A_102 = tpu.memref_squeeze %dma_start3A_101 : memref<1x1x80x128xi32, #tpu.memory_space<hbm>> -> memref<80x128xi32, #tpu.memory_space<hbm>>
      %dma_start3A_103 = arith.constant 0 : i32
      %dma_start3A_104 = arith.constant 0 : i32
      %dma_start3A_105 = tpu.memref_slice %arg2[%arg0, %arg1, %dma_start3A_103, %dma_start3A_104] : memref<3x16x80x128xi32, #tpu.memory_space<hbm>> -> memref<1x1x80x128xi32, #tpu.memory_space<hbm>>
      %dma_start3A_106 = tpu.memref_squeeze %dma_start3A_105 : memref<1x1x80x128xi32, #tpu.memory_space<hbm>> -> memref<80x128xi32, #tpu.memory_space<hbm>>
      tpu.enqueue_dma source(%dma_start3A_106 : memref<80x128xi32, #tpu.memory_space<hbm>>) target(%arg5 : memref<80x128xi32, #tpu.memory_space<vmem>>) target_semaphore(%run_scoped3A_98 : memref<!tpu.dma_semaphore, #tpu.memory_space<semaphore_mem>>)
      %dma_wait3A_107 = arith.constant 0 : i32
      %dma_wait3A_108 = arith.constant 0 : i32
      %dma_wait3A_109 = tpu.memref_slice %arg2[%arg0, %arg1, %dma_wait3A_107, %dma_wait3A_108] : memref<3x16x80x128xi32, #tpu.memory_space<hbm>> -> memref<1x1x80x128xi32, #tpu.memory_space<hbm>>
      %dma_wait3A_110 = tpu.memref_squeeze %dma_wait3A_109 : memref<1x1x80x128xi32, #tpu.memory_space<hbm>> -> memref<80x128xi32, #tpu.memory_space<hbm>>
      %dma_wait3A_111 = arith.constant 0 : i32
      %dma_wait3A_112 = arith.constant 0 : i32
      %dma_wait3A_113 = tpu.memref_slice %arg2[%arg0, %arg1, %dma_wait3A_111, %dma_wait3A_112] : memref<3x16x80x128xi32, #tpu.memory_space<hbm>> -> memref<1x1x80x128xi32, #tpu.memory_space<hbm>>
      %dma_wait3A_114 = tpu.memref_squeeze %dma_wait3A_113 : memref<1x1x80x128xi32, #tpu.memory_space<hbm>> -> memref<80x128xi32, #tpu.memory_space<hbm>>
      tpu.wait_dma2 semaphore(%run_scoped3A_98 : memref<!tpu.dma_semaphore, #tpu.memory_space<semaphore_mem>>) src(%dma_wait3A_114 : memref<80x128xi32, #tpu.memory_space<hbm>>) dst(%arg5 : memref<80x128xi32, #tpu.memory_space<vmem>>)
      tpu.yield
    }) : () -> ()
    %sub3A = arith.constant 1 : i32
    %sub3A_24 = arith.subi %sub3A, %arg0 : i32
    "tpu.region"() ({
      %run_scoped3A_98 = tpu.sem_alloc : memref<!tpu.dma_semaphore, #tpu.memory_space<semaphore_mem>>
      %dma_start3A_99 = arith.constant 0 : i32
      %dma_start3A_100 = arith.constant 0 : i32
      %dma_start3A_101 = tpu.memref_slice %arg2[%sub3A_24, %arg1, %dma_start3A_99, %dma_start3A_100] : memref<3x16x80x128xi32, #tpu.memory_space<hbm>> -> memref<1x1x80x128xi32, #tpu.memory_space<hbm>>
      %dma_start3A_102 = tpu.memref_squeeze %dma_start3A_101 : memref<1x1x80x128xi32, #tpu.memory_space<hbm>> -> memref<80x128xi32, #tpu.memory_space<hbm>>
      %dma_start3A_103 = arith.constant 0 : i32
      %dma_start3A_104 = arith.constant 0 : i32
      %dma_start3A_105 = tpu.memref_slice %arg2[%sub3A_24, %arg1, %dma_start3A_103, %dma_start3A_104] : memref<3x16x80x128xi32, #tpu.memory_space<hbm>> -> memref<1x1x80x128xi32, #tpu.memory_space<hbm>>
      %dma_start3A_106 = tpu.memref_squeeze %dma_start3A_105 : memref<1x1x80x128xi32, #tpu.memory_space<hbm>> -> memref<80x128xi32, #tpu.memory_space<hbm>>
      tpu.enqueue_dma source(%dma_start3A_106 : memref<80x128xi32, #tpu.memory_space<hbm>>) target(%arg6 : memref<80x128xi32, #tpu.memory_space<vmem>>) target_semaphore(%run_scoped3A_98 : memref<!tpu.dma_semaphore, #tpu.memory_space<semaphore_mem>>)
      %dma_wait3A_107 = arith.constant 0 : i32
      %dma_wait3A_108 = arith.constant 0 : i32
      %dma_wait3A_109 = tpu.memref_slice %arg2[%sub3A_24, %arg1, %dma_wait3A_107, %dma_wait3A_108] : memref<3x16x80x128xi32, #tpu.memory_space<hbm>> -> memref<1x1x80x128xi32, #tpu.memory_space<hbm>>
      %dma_wait3A_110 = tpu.memref_squeeze %dma_wait3A_109 : memref<1x1x80x128xi32, #tpu.memory_space<hbm>> -> memref<80x128xi32, #tpu.memory_space<hbm>>
      %dma_wait3A_111 = arith.constant 0 : i32
      %dma_wait3A_112 = arith.constant 0 : i32
      %dma_wait3A_113 = tpu.memref_slice %arg2[%sub3A_24, %arg1, %dma_wait3A_111, %dma_wait3A_112] : memref<3x16x80x128xi32, #tpu.memory_space<hbm>> -> memref<1x1x80x128xi32, #tpu.memory_space<hbm>>
      %dma_wait3A_114 = tpu.memref_squeeze %dma_wait3A_113 : memref<1x1x80x128xi32, #tpu.memory_space<hbm>> -> memref<80x128xi32, #tpu.memory_space<hbm>>
      tpu.wait_dma2 semaphore(%run_scoped3A_98 : memref<!tpu.dma_semaphore, #tpu.memory_space<semaphore_mem>>) src(%dma_wait3A_114 : memref<80x128xi32, #tpu.memory_space<hbm>>) dst(%arg6 : memref<80x128xi32, #tpu.memory_space<vmem>>)
      tpu.yield
    }) : () -> ()
    %run_scoped3A = arith.constant 2 : i32
    "tpu.region"() ({
      %run_scoped3A_98 = tpu.sem_alloc : memref<!tpu.dma_semaphore, #tpu.memory_space<semaphore_mem>>
      %dma_start3A_99 = arith.constant 0 : i32
      %dma_start3A_100 = arith.constant 0 : i32
      %dma_start3A_101 = tpu.memref_slice %arg2[%run_scoped3A, %arg1, %dma_start3A_99, %dma_start3A_100] : memref<3x16x80x128xi32, #tpu.memory_space<hbm>> -> memref<1x1x80x128xi32, #tpu.memory_space<hbm>>
      %dma_start3A_102 = tpu.memref_squeeze %dma_start3A_101 : memref<1x1x80x128xi32, #tpu.memory_space<hbm>> -> memref<80x128xi32, #tpu.memory_space<hbm>>
      %dma_start3A_103 = arith.constant 0 : i32
      %dma_start3A_104 = arith.constant 0 : i32
      %dma_start3A_105 = tpu.memref_slice %arg2[%run_scoped3A, %arg1, %dma_start3A_103, %dma_start3A_104] : memref<3x16x80x128xi32, #tpu.memory_space<hbm>> -> memref<1x1x80x128xi32, #tpu.memory_space<hbm>>
      %dma_start3A_106 = tpu.memref_squeeze %dma_start3A_105 : memref<1x1x80x128xi32, #tpu.memory_space<hbm>> -> memref<80x128xi32, #tpu.memory_space<hbm>>
      tpu.enqueue_dma source(%dma_start3A_106 : memref<80x128xi32, #tpu.memory_space<hbm>>) target(%arg7 : memref<80x128xi32, #tpu.memory_space<vmem>>) target_semaphore(%run_scoped3A_98 : memref<!tpu.dma_semaphore, #tpu.memory_space<semaphore_mem>>)
      %dma_wait3A_107 = arith.constant 0 : i32
      %dma_wait3A_108 = arith.constant 0 : i32
      %dma_wait3A_109 = tpu.memref_slice %arg2[%run_scoped3A, %arg1, %dma_wait3A_107, %dma_wait3A_108] : memref<3x16x80x128xi32, #tpu.memory_space<hbm>> -> memref<1x1x80x128xi32, #tpu.memory_space<hbm>>
      %dma_wait3A_110 = tpu.memref_squeeze %dma_wait3A_109 : memref<1x1x80x128xi32, #tpu.memory_space<hbm>> -> memref<80x128xi32, #tpu.memory_space<hbm>>
      %dma_wait3A_111 = arith.constant 0 : i32
      %dma_wait3A_112 = arith.constant 0 : i32
      %dma_wait3A_113 = tpu.memref_slice %arg2[%run_scoped3A, %arg1, %dma_wait3A_111, %dma_wait3A_112] : memref<3x16x80x128xi32, #tpu.memory_space<hbm>> -> memref<1x1x80x128xi32, #tpu.memory_space<hbm>>
      %dma_wait3A_114 = tpu.memref_squeeze %dma_wait3A_113 : memref<1x1x80x128xi32, #tpu.memory_space<hbm>> -> memref<80x128xi32, #tpu.memory_space<hbm>>
      tpu.wait_dma2 semaphore(%run_scoped3A_98 : memref<!tpu.dma_semaphore, #tpu.memory_space<semaphore_mem>>) src(%dma_wait3A_114 : memref<80x128xi32, #tpu.memory_space<hbm>>) dst(%arg7 : memref<80x128xi32, #tpu.memory_space<vmem>>)
      tpu.yield
    }) : () -> ()
    %mul3A_25 = arith.constant 655360 : i32
    %mul3A_26 = arith.muli %arg0, %mul3A_25 : i32
    %scan3A_27 = arith.constant 0 : i32
    %scan3A_28 = arith.constant 0 : i32
    %scan3A_29 = arith.constant 80 : i32
    %scan3A_30 = arith.addi %scan3A_28, %scan3A_29 : i32
    %scan3A_31 = arith.constant 1 : i32
    scf.for %scan3A_98 = %scan3A_28 to %scan3A_30 step %scan3A_31  : i32 {
      %get3A = arith.index_cast %scan3A_98 : i32 to index
      %get3A_99 = arith.constant 0 : index
      %get3A_100 = tpu.vector_load %arg7[%get3A, %get3A_99] {strides = array<i32>} : memref<80x128xi32, #tpu.memory_space<vmem>>, vector<16xi32>,
      %get3A_101 = arith.index_cast %scan3A_98 : i32 to index
      %get3A_102 = arith.constant 0 : index
      %get3A_103 = tpu.vector_load %arg5[%get3A_101, %get3A_102] {strides = array<i32>} : memref<80x128xi32, #tpu.memory_space<vmem>>, vector<16xi32>,
      %mul3A_104 = arith.constant 8 : i32
      %mul3A_105 = vector.broadcast %mul3A_104 : i32 to vector<16xi32>
      %mul3A_106 = arith.muli %get3A_103, %mul3A_105 : vector<16xi32>
      %shift_right_arithmetic3A = arith.constant 3 : i32
      %shift_right_arithmetic3A_107 = vector.broadcast %shift_right_arithmetic3A : i32 to vector<16xi32>
      %shift_right_arithmetic3A_108 = arith.shrsi %get3A_100, %shift_right_arithmetic3A_107 : vector<16xi32>
      %mul3A_109 = arith.constant 81920 : i32
      %mul3A_110 = vector.broadcast %mul3A_109 : i32 to vector<16xi32>
      %mul3A_111 = arith.muli %shift_right_arithmetic3A_108, %mul3A_110 : vector<16xi32>
      %add3A_112 = arith.addi %mul3A_106, %mul3A_111 : vector<16xi32>
      %and3A = arith.constant 7 : i32
      %and3A_113 = vector.broadcast %and3A : i32 to vector<16xi32>
      %and3A_114 = arith.andi %get3A_100, %and3A_113 : vector<16xi32>
      %add3A_115 = arith.addi %add3A_112, %and3A_114 : vector<16xi32>
      %add3A_116 = vector.broadcast %mul3A_26 : i32 to vector<16xi32>
      %add3A_117 = arith.addi %add3A_115, %add3A_116 : vector<16xi32>
      %swap3A = arith.index_cast %scan3A_98 : i32 to index
      %swap3A_118 = arith.constant 0 : index
      %swap3A_119 = tpu.vector_load %arg5[%swap3A, %swap3A_118] {strides = array<i32>} : memref<80x128xi32, #tpu.memory_space<vmem>>, vector<16xi32>,
      tpu.vector_store %arg5[%swap3A, %swap3A_118], %add3A_117 {strides = array<i32>} : memref<80x128xi32, #tpu.memory_space<vmem>>, vector<16xi32>,
      %get3A_120 = arith.index_cast %scan3A_98 : i32 to index
      %get3A_121 = arith.constant 16 : index
      %get3A_122 = tpu.vector_load %arg7[%get3A_120, %get3A_121] {strides = array<i32>} : memref<80x128xi32, #tpu.memory_space<vmem>>, vector<16xi32>,
      %get3A_123 = arith.index_cast %scan3A_98 : i32 to index
      %get3A_124 = arith.constant 16 : index
      %get3A_125 = tpu.vector_load %arg5[%get3A_123, %get3A_124] {strides = array<i32>} : memref<80x128xi32, #tpu.memory_space<vmem>>, vector<16xi32>,
      %mul3A_126 = arith.constant 8 : i32
      %mul3A_127 = vector.broadcast %mul3A_126 : i32 to vector<16xi32>
      %mul3A_128 = arith.muli %get3A_125, %mul3A_127 : vector<16xi32>
      %shift_right_arithmetic3A_129 = arith.constant 3 : i32
      %shift_right_arithmetic3A_130 = vector.broadcast %shift_right_arithmetic3A_129 : i32 to vector<16xi32>
      %shift_right_arithmetic3A_131 = arith.shrsi %get3A_122, %shift_right_arithmetic3A_130 : vector<16xi32>
      %mul3A_132 = arith.constant 81920 : i32
      %mul3A_133 = vector.broadcast %mul3A_132 : i32 to vector<16xi32>
      %mul3A_134 = arith.muli %shift_right_arithmetic3A_131, %mul3A_133 : vector<16xi32>
      %add3A_135 = arith.addi %mul3A_128, %mul3A_134 : vector<16xi32>
      %and3A_136 = arith.constant 7 : i32
      %and3A_137 = vector.broadcast %and3A_136 : i32 to vector<16xi32>
      %and3A_138 = arith.andi %get3A_122, %and3A_137 : vector<16xi32>
      %add3A_139 = arith.addi %add3A_135, %and3A_138 : vector<16xi32>
      %add3A_140 = vector.broadcast %mul3A_26 : i32 to vector<16xi32>
      %add3A_141 = arith.addi %add3A_139, %add3A_140 : vector<16xi32>
      %swap3A_142 = arith.index_cast %scan3A_98 : i32 to index
      %swap3A_143 = arith.constant 16 : index
      %swap3A_144 = tpu.vector_load %arg5[%swap3A_142, %swap3A_143] {strides = array<i32>} : memref<80x128xi32, #tpu.memory_space<vmem>>, vector<16xi32>,
      tpu.vector_store %arg5[%swap3A_142, %swap3A_143], %add3A_141 {strides = array<i32>} : memref<80x128xi32, #tpu.memory_space<vmem>>, vector<16xi32>,
      %get3A_145 = arith.index_cast %scan3A_98 : i32 to index
      %get3A_146 = arith.constant 32 : index
      %get3A_147 = tpu.vector_load %arg7[%get3A_145, %get3A_146] {strides = array<i32>} : memref<80x128xi32, #tpu.memory_space<vmem>>, vector<16xi32>,
      %get3A_148 = arith.index_cast %scan3A_98 : i32 to index
      %get3A_149 = arith.constant 32 : index
      %get3A_150 = tpu.vector_load %arg5[%get3A_148, %get3A_149] {strides = array<i32>} : memref<80x128xi32, #tpu.memory_space<vmem>>, vector<16xi32>,
      %mul3A_151 = arith.constant 8 : i32
      %mul3A_152 = vector.broadcast %mul3A_151 : i32 to vector<16xi32>
      %mul3A_153 = arith.muli %get3A_150, %mul3A_152 : vector<16xi32>
      %shift_right_arithmetic3A_154 = arith.constant 3 : i32
      %shift_right_arithmetic3A_155 = vector.broadcast %shift_right_arithmetic3A_154 : i32 to vector<16xi32>
      %shift_right_arithmetic3A_156 = arith.shrsi %get3A_147, %shift_right_arithmetic3A_155 : vector<16xi32>
      %mul3A_157 = arith.constant 81920 : i32
      %mul3A_158 = vector.broadcast %mul3A_157 : i32 to vector<16xi32>
      %mul3A_159 = arith.muli %shift_right_arithmetic3A_156, %mul3A_158 : vector<16xi32>
      %add3A_160 = arith.addi %mul3A_153, %mul3A_159 : vector<16xi32>
      %and3A_161 = arith.constant 7 : i32
      %and3A_162 = vector.broadcast %and3A_161 : i32 to vector<16xi32>
      %and3A_163 = arith.andi %get3A_147, %and3A_162 : vector<16xi32>
      %add3A_164 = arith.addi %add3A_160, %and3A_163 : vector<16xi32>
      %add3A_165 = vector.broadcast %mul3A_26 : i32 to vector<16xi32>
      %add3A_166 = arith.addi %add3A_164, %add3A_165 : vector<16xi32>
      %swap3A_167 = arith.index_cast %scan3A_98 : i32 to index
      %swap3A_168 = arith.constant 32 : index
      %swap3A_169 = tpu.vector_load %arg5[%swap3A_167, %swap3A_168] {strides = array<i32>} : memref<80x128xi32, #tpu.memory_space<vmem>>, vector<16xi32>,
      tpu.vector_store %arg5[%swap3A_167, %swap3A_168], %add3A_166 {strides = array<i32>} : memref<80x128xi32, #tpu.memory_space<vmem>>, vector<16xi32>,
      %get3A_170 = arith.index_cast %scan3A_98 : i32 to index
      %get3A_171 = arith.constant 48 : index
      %get3A_172 = tpu.vector_load %arg7[%get3A_170, %get3A_171] {strides = array<i32>} : memref<80x128xi32, #tpu.memory_space<vmem>>, vector<16xi32>,
      %get3A_173 = arith.index_cast %scan3A_98 : i32 to index
      %get3A_174 = arith.constant 48 : index
      %get3A_175 = tpu.vector_load %arg5[%get3A_173, %get3A_174] {strides = array<i32>} : memref<80x128xi32, #tpu.memory_space<vmem>>, vector<16xi32>,
      %mul3A_176 = arith.constant 8 : i32
      %mul3A_177 = vector.broadcast %mul3A_176 : i32 to vector<16xi32>
      %mul3A_178 = arith.muli %get3A_175, %mul3A_177 : vector<16xi32>
      %shift_right_arithmetic3A_179 = arith.constant 3 : i32
      %shift_right_arithmetic3A_180 = vector.broadcast %shift_right_arithmetic3A_179 : i32 to vector<16xi32>
      %shift_right_arithmetic3A_181 = arith.shrsi %get3A_172, %shift_right_arithmetic3A_180 : vector<16xi32>
      %mul3A_182 = arith.constant 81920 : i32
      %mul3A_183 = vector.broadcast %mul3A_182 : i32 to vector<16xi32>
      %mul3A_184 = arith.muli %shift_right_arithmetic3A_181, %mul3A_183 : vector<16xi32>
      %add3A_185 = arith.addi %mul3A_178, %mul3A_184 : vector<16xi32>
      %and3A_186 = arith.constant 7 : i32
      %and3A_187 = vector.broadcast %and3A_186 : i32 to vector<16xi32>
      %and3A_188 = arith.andi %get3A_172, %and3A_187 : vector<16xi32>
      %add3A_189 = arith.addi %add3A_185, %and3A_188 : vector<16xi32>
      %add3A_190 = vector.broadcast %mul3A_26 : i32 to vector<16xi32>
      %add3A_191 = arith.addi %add3A_189, %add3A_190 : vector<16xi32>
      %swap3A_192 = arith.index_cast %scan3A_98 : i32 to index
      %swap3A_193 = arith.constant 48 : index
      %swap3A_194 = tpu.vector_load %arg5[%swap3A_192, %swap3A_193] {strides = array<i32>} : memref<80x128xi32, #tpu.memory_space<vmem>>, vector<16xi32>,
      tpu.vector_store %arg5[%swap3A_192, %swap3A_193], %add3A_191 {strides = array<i32>} : memref<80x128xi32, #tpu.memory_space<vmem>>, vector<16xi32>,
      %get3A_195 = arith.index_cast %scan3A_98 : i32 to index
      %get3A_196 = arith.constant 64 : index
      %get3A_197 = tpu.vector_load %arg7[%get3A_195, %get3A_196] {strides = array<i32>} : memref<80x128xi32, #tpu.memory_space<vmem>>, vector<16xi32>,
      %get3A_198 = arith.index_cast %scan3A_98 : i32 to index
      %get3A_199 = arith.constant 64 : index
      %get3A_200 = tpu.vector_load %arg5[%get3A_198, %get3A_199] {strides = array<i32>} : memref<80x128xi32, #tpu.memory_space<vmem>>, vector<16xi32>,
      %mul3A_201 = arith.constant 8 : i32
      %mul3A_202 = vector.broadcast %mul3A_201 : i32 to vector<16xi32>
      %mul3A_203 = arith.muli %get3A_200, %mul3A_202 : vector<16xi32>
      %shift_right_arithmetic3A_204 = arith.constant 3 : i32
      %shift_right_arithmetic3A_205 = vector.broadcast %shift_right_arithmetic3A_204 : i32 to vector<16xi32>
      %shift_right_arithmetic3A_206 = arith.shrsi %get3A_197, %shift_right_arithmetic3A_205 : vector<16xi32>
      %mul3A_207 = arith.constant 81920 : i32
      %mul3A_208 = vector.broadcast %mul3A_207 : i32 to vector<16xi32>
      %mul3A_209 = arith.muli %shift_right_arithmetic3A_206, %mul3A_208 : vector<16xi32>
      %add3A_210 = arith.addi %mul3A_203, %mul3A_209 : vector<16xi32>
      %and3A_211 = arith.constant 7 : i32
      %and3A_212 = vector.broadcast %and3A_211 : i32 to vector<16xi32>
      %and3A_213 = arith.andi %get3A_197, %and3A_212 : vector<16xi32>
      %add3A_214 = arith.addi %add3A_210, %and3A_213 : vector<16xi32>
      %add3A_215 = vector.broadcast %mul3A_26 : i32 to vector<16xi32>
      %add3A_216 = arith.addi %add3A_214, %add3A_215 : vector<16xi32>
      %swap3A_217 = arith.index_cast %scan3A_98 : i32 to index
      %swap3A_218 = arith.constant 64 : index
      %swap3A_219 = tpu.vector_load %arg5[%swap3A_217, %swap3A_218] {strides = array<i32>} : memref<80x128xi32, #tpu.memory_space<vmem>>, vector<16xi32>,
      tpu.vector_store %arg5[%swap3A_217, %swap3A_218], %add3A_216 {strides = array<i32>} : memref<80x128xi32, #tpu.memory_space<vmem>>, vector<16xi32>,
      %get3A_220 = arith.index_cast %scan3A_98 : i32 to index
      %get3A_221 = arith.constant 80 : index
      %get3A_222 = tpu.vector_load %arg7[%get3A_220, %get3A_221] {strides = array<i32>} : memref<80x128xi32, #tpu.memory_space<vmem>>, vector<16xi32>,
      %get3A_223 = arith.index_cast %scan3A_98 : i32 to index
      %get3A_224 = arith.constant 80 : index
      %get3A_225 = tpu.vector_load %arg5[%get3A_223, %get3A_224] {strides = array<i32>} : memref<80x128xi32, #tpu.memory_space<vmem>>, vector<16xi32>,
      %mul3A_226 = arith.constant 8 : i32
      %mul3A_227 = vector.broadcast %mul3A_226 : i32 to vector<16xi32>
      %mul3A_228 = arith.muli %get3A_225, %mul3A_227 : vector<16xi32>
      %shift_right_arithmetic3A_229 = arith.constant 3 : i32
      %shift_right_arithmetic3A_230 = vector.broadcast %shift_right_arithmetic3A_229 : i32 to vector<16xi32>
      %shift_right_arithmetic3A_231 = arith.shrsi %get3A_222, %shift_right_arithmetic3A_230 : vector<16xi32>
      %mul3A_232 = arith.constant 81920 : i32
      %mul3A_233 = vector.broadcast %mul3A_232 : i32 to vector<16xi32>
      %mul3A_234 = arith.muli %shift_right_arithmetic3A_231, %mul3A_233 : vector<16xi32>
      %add3A_235 = arith.addi %mul3A_228, %mul3A_234 : vector<16xi32>
      %and3A_236 = arith.constant 7 : i32
      %and3A_237 = vector.broadcast %and3A_236 : i32 to vector<16xi32>
      %and3A_238 = arith.andi %get3A_222, %and3A_237 : vector<16xi32>
      %add3A_239 = arith.addi %add3A_235, %and3A_238 : vector<16xi32>
      %add3A_240 = vector.broadcast %mul3A_26 : i32 to vector<16xi32>
      %add3A_241 = arith.addi %add3A_239, %add3A_240 : vector<16xi32>
      %swap3A_242 = arith.index_cast %scan3A_98 : i32 to index
      %swap3A_243 = arith.constant 80 : index
      %swap3A_244 = tpu.vector_load %arg5[%swap3A_242, %swap3A_243] {strides = array<i32>} : memref<80x128xi32, #tpu.memory_space<vmem>>, vector<16xi32>,
      tpu.vector_store %arg5[%swap3A_242, %swap3A_243], %add3A_241 {strides = array<i32>} : memref<80x128xi32, #tpu.memory_space<vmem>>, vector<16xi32>,
      %get3A_245 = arith.index_cast %scan3A_98 : i32 to index
      %get3A_246 = arith.constant 96 : index
      %get3A_247 = tpu.vector_load %arg7[%get3A_245, %get3A_246] {strides = array<i32>} : memref<80x128xi32, #tpu.memory_space<vmem>>, vector<16xi32>,
      %get3A_248 = arith.index_cast %scan3A_98 : i32 to index
      %get3A_249 = arith.constant 96 : index
      %get3A_250 = tpu.vector_load %arg5[%get3A_248, %get3A_249] {strides = array<i32>} : memref<80x128xi32, #tpu.memory_space<vmem>>, vector<16xi32>,
      %mul3A_251 = arith.constant 8 : i32
      %mul3A_252 = vector.broadcast %mul3A_251 : i32 to vector<16xi32>
      %mul3A_253 = arith.muli %get3A_250, %mul3A_252 : vector<16xi32>
      %shift_right_arithmetic3A_254 = arith.constant 3 : i32
      %shift_right_arithmetic3A_255 = vector.broadcast %shift_right_arithmetic3A_254 : i32 to vector<16xi32>
      %shift_right_arithmetic3A_256 = arith.shrsi %get3A_247, %shift_right_arithmetic3A_255 : vector<16xi32>
      %mul3A_257 = arith.constant 81920 : i32
      %mul3A_258 = vector.broadcast %mul3A_257 : i32 to vector<16xi32>
      %mul3A_259 = arith.muli %shift_right_arithmetic3A_256, %mul3A_258 : vector<16xi32>
      %add3A_260 = arith.addi %mul3A_253, %mul3A_259 : vector<16xi32>
      %and3A_261 = arith.constant 7 : i32
      %and3A_262 = vector.broadcast %and3A_261 : i32 to vector<16xi32>
      %and3A_263 = arith.andi %get3A_247, %and3A_262 : vector<16xi32>
      %add3A_264 = arith.addi %add3A_260, %and3A_263 : vector<16xi32>
      %add3A_265 = vector.broadcast %mul3A_26 : i32 to vector<16xi32>
      %add3A_266 = arith.addi %add3A_264, %add3A_265 : vector<16xi32>
      %swap3A_267 = arith.index_cast %scan3A_98 : i32 to index
      %swap3A_268 = arith.constant 96 : index
      %swap3A_269 = tpu.vector_load %arg5[%swap3A_267, %swap3A_268] {strides = array<i32>} : memref<80x128xi32, #tpu.memory_space<vmem>>, vector<16xi32>,
      tpu.vector_store %arg5[%swap3A_267, %swap3A_268], %add3A_266 {strides = array<i32>} : memref<80x128xi32, #tpu.memory_space<vmem>>, vector<16xi32>,
      %get3A_270 = arith.index_cast %scan3A_98 : i32 to index
      %get3A_271 = arith.constant 112 : index
      %get3A_272 = tpu.vector_load %arg7[%get3A_270, %get3A_271] {strides = array<i32>} : memref<80x128xi32, #tpu.memory_space<vmem>>, vector<16xi32>,
      %get3A_273 = arith.index_cast %scan3A_98 : i32 to index
      %get3A_274 = arith.constant 112 : index
      %get3A_275 = tpu.vector_load %arg5[%get3A_273, %get3A_274] {strides = array<i32>} : memref<80x128xi32, #tpu.memory_space<vmem>>, vector<16xi32>,
      %mul3A_276 = arith.constant 8 : i32
      %mul3A_277 = vector.broadcast %mul3A_276 : i32 to vector<16xi32>
      %mul3A_278 = arith.muli %get3A_275, %mul3A_277 : vector<16xi32>
      %shift_right_arithmetic3A_279 = arith.constant 3 : i32
      %shift_right_arithmetic3A_280 = vector.broadcast %shift_right_arithmetic3A_279 : i32 to vector<16xi32>
      %shift_right_arithmetic3A_281 = arith.shrsi %get3A_272, %shift_right_arithmetic3A_280 : vector<16xi32>
      %mul3A_282 = arith.constant 81920 : i32
      %mul3A_283 = vector.broadcast %mul3A_282 : i32 to vector<16xi32>
      %mul3A_284 = arith.muli %shift_right_arithmetic3A_281, %mul3A_283 : vector<16xi32>
      %add3A_285 = arith.addi %mul3A_278, %mul3A_284 : vector<16xi32>
      %and3A_286 = arith.constant 7 : i32
      %and3A_287 = vector.broadcast %and3A_286 : i32 to vector<16xi32>
      %and3A_288 = arith.andi %get3A_272, %and3A_287 : vector<16xi32>
      %add3A_289 = arith.addi %add3A_285, %and3A_288 : vector<16xi32>
      %add3A_290 = vector.broadcast %mul3A_26 : i32 to vector<16xi32>
      %add3A_291 = arith.addi %add3A_289, %add3A_290 : vector<16xi32>
      %swap3A_292 = arith.index_cast %scan3A_98 : i32 to index
      %swap3A_293 = arith.constant 112 : index
      %swap3A_294 = tpu.vector_load %arg5[%swap3A_292, %swap3A_293] {strides = array<i32>} : memref<80x128xi32, #tpu.memory_space<vmem>>, vector<16xi32>,
      tpu.vector_store %arg5[%swap3A_292, %swap3A_293], %add3A_291 {strides = array<i32>} : memref<80x128xi32, #tpu.memory_space<vmem>>, vector<16xi32>,
    }
    %scan3A_32 = arith.constant 80 : i32
    %dma_start3A = arith.constant 0 : i32
    %dma_start3A_33 = arith.constant 0 : i32
    %dma_start3A_34 = tpu.memref_slice %arg5[%dma_start3A, %dma_start3A_33] : memref<80x128xi32, #tpu.memory_space<vmem>> -> memref<1x128xi32, #tpu.memory_space<vmem>>
    %dma_start3A_35 = tpu.memref_squeeze %dma_start3A_34 : memref<1x128xi32, #tpu.memory_space<vmem>> -> memref<128xi32, #tpu.memory_space<vmem>>
    %dma_start3A_36 = arith.constant 0 : i32
    %dma_start3A_37 = arith.constant 0 : i32
    %dma_start3A_38 = tpu.memref_slice %arg3[%dma_start3A_36, %dma_start3A_37] : memref<1310720x16xf32, #tpu.memory_space<hbm>> -> memref<1310720x16xf32, #tpu.memory_space<hbm>>
    tpu.enqueue_indirect_dma source(%dma_start3A_38 : memref<1310720x16xf32, #tpu.memory_space<hbm>>) target(%arg8 : memref<128x16xf32, #tpu.memory_space<vmem>>) offsets(%dma_start3A_35 : memref<128xi32, #tpu.memory_space<vmem>>) semaphore(%arg17 : memref<!tpu.dma_semaphore, #tpu.memory_space<semaphore_mem>>)
    %dma_start3A_39 = arith.constant 1 : i32
    %dma_start3A_40 = arith.constant 0 : i32
    %dma_start3A_41 = tpu.memref_slice %arg5[%dma_start3A_39, %dma_start3A_40] : memref<80x128xi32, #tpu.memory_space<vmem>> -> memref<1x128xi32, #tpu.memory_space<vmem>>
    %dma_start3A_42 = tpu.memref_squeeze %dma_start3A_41 : memref<1x128xi32, #tpu.memory_space<vmem>> -> memref<128xi32, #tpu.memory_space<vmem>>
    %dma_start3A_43 = arith.constant 0 : i32
    %dma_start3A_44 = arith.constant 0 : i32
    %dma_start3A_45 = tpu.memref_slice %arg3[%dma_start3A_43, %dma_start3A_44] : memref<1310720x16xf32, #tpu.memory_space<hbm>> -> memref<1310720x16xf32, #tpu.memory_space<hbm>>
    tpu.enqueue_indirect_dma source(%dma_start3A_45 : memref<1310720x16xf32, #tpu.memory_space<hbm>>) target(%arg9 : memref<128x16xf32, #tpu.memory_space<vmem>>) offsets(%dma_start3A_42 : memref<128xi32, #tpu.memory_space<vmem>>) semaphore(%arg18 : memref<!tpu.dma_semaphore, #tpu.memory_space<semaphore_mem>>)
    %dma_start3A_46 = arith.constant 2 : i32
    %dma_start3A_47 = arith.constant 0 : i32
    %dma_start3A_48 = tpu.memref_slice %arg5[%dma_start3A_46, %dma_start3A_47] : memref<80x128xi32, #tpu.memory_space<vmem>> -> memref<1x128xi32, #tpu.memory_space<vmem>>
    %dma_start3A_49 = tpu.memref_squeeze %dma_start3A_48 : memref<1x128xi32, #tpu.memory_space<vmem>> -> memref<128xi32, #tpu.memory_space<vmem>>
    %dma_start3A_50 = arith.constant 0 : i32
    %dma_start3A_51 = arith.constant 0 : i32
    %dma_start3A_52 = tpu.memref_slice %arg3[%dma_start3A_50, %dma_start3A_51] : memref<1310720x16xf32, #tpu.memory_space<hbm>> -> memref<1310720x16xf32, #tpu.memory_space<hbm>>
    tpu.enqueue_indirect_dma source(%dma_start3A_52 : memref<1310720x16xf32, #tpu.memory_space<hbm>>) target(%arg10 : memref<128x16xf32, #tpu.memory_space<vmem>>) offsets(%dma_start3A_49 : memref<128xi32, #tpu.memory_space<vmem>>) semaphore(%arg19 : memref<!tpu.dma_semaphore, #tpu.memory_space<semaphore_mem>>)
    %dma_start3A_53 = arith.constant 3 : i32
    %dma_start3A_54 = arith.constant 0 : i32
    %dma_start3A_55 = tpu.memref_slice %arg5[%dma_start3A_53, %dma_start3A_54] : memref<80x128xi32, #tpu.memory_space<vmem>> -> memref<1x128xi32, #tpu.memory_space<vmem>>
    %dma_start3A_56 = tpu.memref_squeeze %dma_start3A_55 : memref<1x128xi32, #tpu.memory_space<vmem>> -> memref<128xi32, #tpu.memory_space<vmem>>
    %dma_start3A_57 = arith.constant 0 : i32
    %dma_start3A_58 = arith.constant 0 : i32
    %dma_start3A_59 = tpu.memref_slice %arg3[%dma_start3A_57, %dma_start3A_58] : memref<1310720x16xf32, #tpu.memory_space<hbm>> -> memref<1310720x16xf32, #tpu.memory_space<hbm>>
    tpu.enqueue_indirect_dma source(%dma_start3A_59 : memref<1310720x16xf32, #tpu.memory_space<hbm>>) target(%arg11 : memref<128x16xf32, #tpu.memory_space<vmem>>) offsets(%dma_start3A_56 : memref<128xi32, #tpu.memory_space<vmem>>) semaphore(%arg20 : memref<!tpu.dma_semaphore, #tpu.memory_space<semaphore_mem>>)
    %scan3A_60 = arith.constant 0 : i32
    %scan3A_61 = arith.constant 0 : i32
    %scan3A_62 = arith.constant 10 : i32
    %scan3A_63 = arith.addi %scan3A_61, %scan3A_62 : i32
    %scan3A_64 = arith.constant 1 : i32
    scf.for %scan3A_98 = %scan3A_61 to %scan3A_63 step %scan3A_64  : i32 {
      %mul3A_99 = arith.constant 8 : i32
      %mul3A_100 = arith.muli %mul3A_99, %scan3A_98 : i32
      %add3A_101 = arith.constant 0 : i32
      %add3A_102 = arith.addi %mul3A_100, %add3A_101 : i32
      %ge3A = arith.constant 4 : i32
      %ge3A_103 = arith.cmpi sge, %add3A_102, %ge3A : i32
      %convert_element_type3A = arith.extui %ge3A_103 : i1 to i32
      %cond3A = arith.constant 0 : i32
      %cond3A_104 = arith.cmpi ne, %convert_element_type3A, %cond3A : i32
      scf.if %cond3A_104 {
        %sub3A_305 = arith.constant 4 : i32
        %sub3A_306 = arith.subi %add3A_102, %sub3A_305 : i32
        %dma_wait3A_307 = arith.constant 0 : i32
        %dma_wait3A_308 = tpu.memref_slice %arg6[%sub3A_306, %dma_wait3A_307] : memref<80x128xi32, #tpu.memory_space<vmem>> -> memref<1x128xi32, #tpu.memory_space<vmem>>
        %dma_wait3A_309 = tpu.memref_squeeze %dma_wait3A_308 : memref<1x128xi32, #tpu.memory_space<vmem>> -> memref<128xi32, #tpu.memory_space<vmem>>
        %dma_wait3A_310 = arith.constant 0 : i32
        %dma_wait3A_311 = arith.constant 0 : i32
        %dma_wait3A_312 = tpu.memref_slice %arg33[%dma_wait3A_310, %dma_wait3A_311] : memref<10240x16xf32, #tpu.memory_space<vmem_shared>> -> memref<10240x16xf32, #tpu.memory_space<vmem_shared>>
        tpu.wait_indirect_dma semaphore(%arg29 : memref<!tpu.dma_semaphore, #tpu.memory_space<semaphore_mem>>) src(%arg12 : memref<128x16xf32, #tpu.memory_space<vmem>>) dst(%dma_wait3A_312 : memref<10240x16xf32, #tpu.memory_space<vmem_shared>>)
      } else {
      }
      %add3A_105 = arith.constant 4 : i32
      %add3A_106 = arith.addi %add3A_102, %add3A_105 : i32
      %lt3A = arith.constant 80 : i32
      %lt3A_107 = arith.cmpi slt, %add3A_106, %lt3A : i32
      %convert_element_type3A_108 = arith.extui %lt3A_107 : i1 to i32
      %cond3A_109 = arith.constant 0 : i32
      %cond3A_110 = arith.cmpi ne, %convert_element_type3A_108, %cond3A_109 : i32
      scf.if %cond3A_110 {
        %add3A_305 = arith.constant 4 : i32
        %add3A_306 = arith.addi %add3A_102, %add3A_305 : i32
        %dma_start3A_307 = arith.constant 0 : i32
        %dma_start3A_308 = tpu.memref_slice %arg5[%add3A_306, %dma_start3A_307] : memref<80x128xi32, #tpu.memory_space<vmem>> -> memref<1x128xi32, #tpu.memory_space<vmem>>
        %dma_start3A_309 = tpu.memref_squeeze %dma_start3A_308 : memref<1x128xi32, #tpu.memory_space<vmem>> -> memref<128xi32, #tpu.memory_space<vmem>>
        %dma_start3A_310 = arith.constant 0 : i32
        %dma_start3A_311 = arith.constant 0 : i32
        %dma_start3A_312 = tpu.memref_slice %arg3[%dma_start3A_310, %dma_start3A_311] : memref<1310720x16xf32, #tpu.memory_space<hbm>> -> memref<1310720x16xf32, #tpu.memory_space<hbm>>
        tpu.enqueue_indirect_dma source(%dma_start3A_312 : memref<1310720x16xf32, #tpu.memory_space<hbm>>) target(%arg12 : memref<128x16xf32, #tpu.memory_space<vmem>>) offsets(%dma_start3A_309 : memref<128xi32, #tpu.memory_space<vmem>>) semaphore(%arg21 : memref<!tpu.dma_semaphore, #tpu.memory_space<semaphore_mem>>)
      } else {
      }
      %dma_wait3A_111 = arith.constant 0 : i32
      %dma_wait3A_112 = tpu.memref_slice %arg5[%add3A_102, %dma_wait3A_111] : memref<80x128xi32, #tpu.memory_space<vmem>> -> memref<1x128xi32, #tpu.memory_space<vmem>>
      %dma_wait3A_113 = tpu.memref_squeeze %dma_wait3A_112 : memref<1x128xi32, #tpu.memory_space<vmem>> -> memref<128xi32, #tpu.memory_space<vmem>>
      %dma_wait3A_114 = arith.constant 0 : i32
      %dma_wait3A_115 = arith.constant 0 : i32
      %dma_wait3A_116 = tpu.memref_slice %arg3[%dma_wait3A_114, %dma_wait3A_115] : memref<1310720x16xf32, #tpu.memory_space<hbm>> -> memref<1310720x16xf32, #tpu.memory_space<hbm>>
      tpu.wait_indirect_dma semaphore(%arg17 : memref<!tpu.dma_semaphore, #tpu.memory_space<semaphore_mem>>) src(%dma_wait3A_116 : memref<1310720x16xf32, #tpu.memory_space<hbm>>) dst(%arg8 : memref<128x16xf32, #tpu.memory_space<vmem>>)
      %dma_start3A_117 = arith.constant 0 : i32
      %dma_start3A_118 = tpu.memref_slice %arg6[%add3A_102, %dma_start3A_117] : memref<80x128xi32, #tpu.memory_space<vmem>> -> memref<1x128xi32, #tpu.memory_space<vmem>>
      %dma_start3A_119 = tpu.memref_squeeze %dma_start3A_118 : memref<1x128xi32, #tpu.memory_space<vmem>> -> memref<128xi32, #tpu.memory_space<vmem>>
      %dma_start3A_120 = arith.constant 0 : i32
      %dma_start3A_121 = arith.constant 0 : i32
      %dma_start3A_122 = tpu.memref_slice %arg33[%dma_start3A_120, %dma_start3A_121] : memref<10240x16xf32, #tpu.memory_space<vmem_shared>> -> memref<10240x16xf32, #tpu.memory_space<vmem_shared>>
      tpu.enqueue_indirect_dma source(%arg8 : memref<128x16xf32, #tpu.memory_space<vmem>>) target(%dma_start3A_122 : memref<10240x16xf32, #tpu.memory_space<vmem_shared>>) offsets(%dma_start3A_119 : memref<128xi32, #tpu.memory_space<vmem>>) semaphore(%arg25 : memref<!tpu.dma_semaphore, #tpu.memory_space<semaphore_mem>>) {add = true}
      %add3A_123 = arith.constant 1 : i32
      %add3A_124 = arith.addi %mul3A_100, %add3A_123 : i32
      %ge3A_125 = arith.constant 4 : i32
      %ge3A_126 = arith.cmpi sge, %add3A_124, %ge3A_125 : i32
      %convert_element_type3A_127 = arith.extui %ge3A_126 : i1 to i32
      %cond3A_128 = arith.constant 0 : i32
      %cond3A_129 = arith.cmpi ne, %convert_element_type3A_127, %cond3A_128 : i32
      scf.if %cond3A_129 {
        %sub3A_305 = arith.constant 4 : i32
        %sub3A_306 = arith.subi %add3A_124, %sub3A_305 : i32
        %dma_wait3A_307 = arith.constant 0 : i32
        %dma_wait3A_308 = tpu.memref_slice %arg6[%sub3A_306, %dma_wait3A_307] : memref<80x128xi32, #tpu.memory_space<vmem>> -> memref<1x128xi32, #tpu.memory_space<vmem>>
        %dma_wait3A_309 = tpu.memref_squeeze %dma_wait3A_308 : memref<1x128xi32, #tpu.memory_space<vmem>> -> memref<128xi32, #tpu.memory_space<vmem>>
        %dma_wait3A_310 = arith.constant 0 : i32
        %dma_wait3A_311 = arith.constant 0 : i32
        %dma_wait3A_312 = tpu.memref_slice %arg33[%dma_wait3A_310, %dma_wait3A_311] : memref<10240x16xf32, #tpu.memory_space<vmem_shared>> -> memref<10240x16xf32, #tpu.memory_space<vmem_shared>>
        tpu.wait_indirect_dma semaphore(%arg30 : memref<!tpu.dma_semaphore, #tpu.memory_space<semaphore_mem>>) src(%arg13 : memref<128x16xf32, #tpu.memory_space<vmem>>) dst(%dma_wait3A_312 : memref<10240x16xf32, #tpu.memory_space<vmem_shared>>)
      } else {
      }
      %add3A_130 = arith.constant 4 : i32
      %add3A_131 = arith.addi %add3A_124, %add3A_130 : i32
      %lt3A_132 = arith.constant 80 : i32
      %lt3A_133 = arith.cmpi slt, %add3A_131, %lt3A_132 : i32
      %convert_element_type3A_134 = arith.extui %lt3A_133 : i1 to i32
      %cond3A_135 = arith.constant 0 : i32
      %cond3A_136 = arith.cmpi ne, %convert_element_type3A_134, %cond3A_135 : i32
      scf.if %cond3A_136 {
        %add3A_305 = arith.constant 4 : i32
        %add3A_306 = arith.addi %add3A_124, %add3A_305 : i32
        %dma_start3A_307 = arith.constant 0 : i32
        %dma_start3A_308 = tpu.memref_slice %arg5[%add3A_306, %dma_start3A_307] : memref<80x128xi32, #tpu.memory_space<vmem>> -> memref<1x128xi32, #tpu.memory_space<vmem>>
        %dma_start3A_309 = tpu.memref_squeeze %dma_start3A_308 : memref<1x128xi32, #tpu.memory_space<vmem>> -> memref<128xi32, #tpu.memory_space<vmem>>
        %dma_start3A_310 = arith.constant 0 : i32
        %dma_start3A_311 = arith.constant 0 : i32
        %dma_start3A_312 = tpu.memref_slice %arg3[%dma_start3A_310, %dma_start3A_311] : memref<1310720x16xf32, #tpu.memory_space<hbm>> -> memref<1310720x16xf32, #tpu.memory_space<hbm>>
        tpu.enqueue_indirect_dma source(%dma_start3A_312 : memref<1310720x16xf32, #tpu.memory_space<hbm>>) target(%arg13 : memref<128x16xf32, #tpu.memory_space<vmem>>) offsets(%dma_start3A_309 : memref<128xi32, #tpu.memory_space<vmem>>) semaphore(%arg22 : memref<!tpu.dma_semaphore, #tpu.memory_space<semaphore_mem>>)
      } else {
      }
      %dma_wait3A_137 = arith.constant 0 : i32
      %dma_wait3A_138 = tpu.memref_slice %arg5[%add3A_124, %dma_wait3A_137] : memref<80x128xi32, #tpu.memory_space<vmem>> -> memref<1x128xi32, #tpu.memory_space<vmem>>
      %dma_wait3A_139 = tpu.memref_squeeze %dma_wait3A_138 : memref<1x128xi32, #tpu.memory_space<vmem>> -> memref<128xi32, #tpu.memory_space<vmem>>
      %dma_wait3A_140 = arith.constant 0 : i32
      %dma_wait3A_141 = arith.constant 0 : i32
      %dma_wait3A_142 = tpu.memref_slice %arg3[%dma_wait3A_140, %dma_wait3A_141] : memref<1310720x16xf32, #tpu.memory_space<hbm>> -> memref<1310720x16xf32, #tpu.memory_space<hbm>>
      tpu.wait_indirect_dma semaphore(%arg18 : memref<!tpu.dma_semaphore, #tpu.memory_space<semaphore_mem>>) src(%dma_wait3A_142 : memref<1310720x16xf32, #tpu.memory_space<hbm>>) dst(%arg9 : memref<128x16xf32, #tpu.memory_space<vmem>>)
      %dma_start3A_143 = arith.constant 0 : i32
      %dma_start3A_144 = tpu.memref_slice %arg6[%add3A_124, %dma_start3A_143] : memref<80x128xi32, #tpu.memory_space<vmem>> -> memref<1x128xi32, #tpu.memory_space<vmem>>
      %dma_start3A_145 = tpu.memref_squeeze %dma_start3A_144 : memref<1x128xi32, #tpu.memory_space<vmem>> -> memref<128xi32, #tpu.memory_space<vmem>>
      %dma_start3A_146 = arith.constant 0 : i32
      %dma_start3A_147 = arith.constant 0 : i32
      %dma_start3A_148 = tpu.memref_slice %arg33[%dma_start3A_146, %dma_start3A_147] : memref<10240x16xf32, #tpu.memory_space<vmem_shared>> -> memref<10240x16xf32, #tpu.memory_space<vmem_shared>>
      tpu.enqueue_indirect_dma source(%arg9 : memref<128x16xf32, #tpu.memory_space<vmem>>) target(%dma_start3A_148 : memref<10240x16xf32, #tpu.memory_space<vmem_shared>>) offsets(%dma_start3A_145 : memref<128xi32, #tpu.memory_space<vmem>>) semaphore(%arg26 : memref<!tpu.dma_semaphore, #tpu.memory_space<semaphore_mem>>) {add = true}
      %add3A_149 = arith.constant 2 : i32
      %add3A_150 = arith.addi %mul3A_100, %add3A_149 : i32
      %ge3A_151 = arith.constant 4 : i32
      %ge3A_152 = arith.cmpi sge, %add3A_150, %ge3A_151 : i32
      %convert_element_type3A_153 = arith.extui %ge3A_152 : i1 to i32
      %cond3A_154 = arith.constant 0 : i32
      %cond3A_155 = arith.cmpi ne, %convert_element_type3A_153, %cond3A_154 : i32
      scf.if %cond3A_155 {
        %sub3A_305 = arith.constant 4 : i32
        %sub3A_306 = arith.subi %add3A_150, %sub3A_305 : i32
        %dma_wait3A_307 = arith.constant 0 : i32
        %dma_wait3A_308 = tpu.memref_slice %arg6[%sub3A_306, %dma_wait3A_307] : memref<80x128xi32, #tpu.memory_space<vmem>> -> memref<1x128xi32, #tpu.memory_space<vmem>>
        %dma_wait3A_309 = tpu.memref_squeeze %dma_wait3A_308 : memref<1x128xi32, #tpu.memory_space<vmem>> -> memref<128xi32, #tpu.memory_space<vmem>>
        %dma_wait3A_310 = arith.constant 0 : i32
        %dma_wait3A_311 = arith.constant 0 : i32
        %dma_wait3A_312 = tpu.memref_slice %arg33[%dma_wait3A_310, %dma_wait3A_311] : memref<10240x16xf32, #tpu.memory_space<vmem_shared>> -> memref<10240x16xf32, #tpu.memory_space<vmem_shared>>
        tpu.wait_indirect_dma semaphore(%arg31 : memref<!tpu.dma_semaphore, #tpu.memory_space<semaphore_mem>>) src(%arg14 : memref<128x16xf32, #tpu.memory_space<vmem>>) dst(%dma_wait3A_312 : memref<10240x16xf32, #tpu.memory_space<vmem_shared>>)
      } else {
      }
      %add3A_156 = arith.constant 4 : i32
      %add3A_157 = arith.addi %add3A_150, %add3A_156 : i32
      %lt3A_158 = arith.constant 80 : i32
      %lt3A_159 = arith.cmpi slt, %add3A_157, %lt3A_158 : i32
      %convert_element_type3A_160 = arith.extui %lt3A_159 : i1 to i32
      %cond3A_161 = arith.constant 0 : i32
      %cond3A_162 = arith.cmpi ne, %convert_element_type3A_160, %cond3A_161 : i32
      scf.if %cond3A_162 {
        %add3A_305 = arith.constant 4 : i32
        %add3A_306 = arith.addi %add3A_150, %add3A_305 : i32
        %dma_start3A_307 = arith.constant 0 : i32
        %dma_start3A_308 = tpu.memref_slice %arg5[%add3A_306, %dma_start3A_307] : memref<80x128xi32, #tpu.memory_space<vmem>> -> memref<1x128xi32, #tpu.memory_space<vmem>>
        %dma_start3A_309 = tpu.memref_squeeze %dma_start3A_308 : memref<1x128xi32, #tpu.memory_space<vmem>> -> memref<128xi32, #tpu.memory_space<vmem>>
        %dma_start3A_310 = arith.constant 0 : i32
        %dma_start3A_311 = arith.constant 0 : i32
        %dma_start3A_312 = tpu.memref_slice %arg3[%dma_start3A_310, %dma_start3A_311] : memref<1310720x16xf32, #tpu.memory_space<hbm>> -> memref<1310720x16xf32, #tpu.memory_space<hbm>>
        tpu.enqueue_indirect_dma source(%dma_start3A_312 : memref<1310720x16xf32, #tpu.memory_space<hbm>>) target(%arg14 : memref<128x16xf32, #tpu.memory_space<vmem>>) offsets(%dma_start3A_309 : memref<128xi32, #tpu.memory_space<vmem>>) semaphore(%arg23 : memref<!tpu.dma_semaphore, #tpu.memory_space<semaphore_mem>>)
      } else {
      }
      %dma_wait3A_163 = arith.constant 0 : i32
      %dma_wait3A_164 = tpu.memref_slice %arg5[%add3A_150, %dma_wait3A_163] : memref<80x128xi32, #tpu.memory_space<vmem>> -> memref<1x128xi32, #tpu.memory_space<vmem>>
      %dma_wait3A_165 = tpu.memref_squeeze %dma_wait3A_164 : memref<1x128xi32, #tpu.memory_space<vmem>> -> memref<128xi32, #tpu.memory_space<vmem>>
      %dma_wait3A_166 = arith.constant 0 : i32
      %dma_wait3A_167 = arith.constant 0 : i32
      %dma_wait3A_168 = tpu.memref_slice %arg3[%dma_wait3A_166, %dma_wait3A_167] : memref<1310720x16xf32, #tpu.memory_space<hbm>> -> memref<1310720x16xf32, #tpu.memory_space<hbm>>
      tpu.wait_indirect_dma semaphore(%arg19 : memref<!tpu.dma_semaphore, #tpu.memory_space<semaphore_mem>>) src(%dma_wait3A_168 : memref<1310720x16xf32, #tpu.memory_space<hbm>>) dst(%arg10 : memref<128x16xf32, #tpu.memory_space<vmem>>)
      %dma_start3A_169 = arith.constant 0 : i32
      %dma_start3A_170 = tpu.memref_slice %arg6[%add3A_150, %dma_start3A_169] : memref<80x128xi32, #tpu.memory_space<vmem>> -> memref<1x128xi32, #tpu.memory_space<vmem>>
      %dma_start3A_171 = tpu.memref_squeeze %dma_start3A_170 : memref<1x128xi32, #tpu.memory_space<vmem>> -> memref<128xi32, #tpu.memory_space<vmem>>
      %dma_start3A_172 = arith.constant 0 : i32
      %dma_start3A_173 = arith.constant 0 : i32
      %dma_start3A_174 = tpu.memref_slice %arg33[%dma_start3A_172, %dma_start3A_173] : memref<10240x16xf32, #tpu.memory_space<vmem_shared>> -> memref<10240x16xf32, #tpu.memory_space<vmem_shared>>
      tpu.enqueue_indirect_dma source(%arg10 : memref<128x16xf32, #tpu.memory_space<vmem>>) target(%dma_start3A_174 : memref<10240x16xf32, #tpu.memory_space<vmem_shared>>) offsets(%dma_start3A_171 : memref<128xi32, #tpu.memory_space<vmem>>) semaphore(%arg27 : memref<!tpu.dma_semaphore, #tpu.memory_space<semaphore_mem>>) {add = true}
      %add3A_175 = arith.constant 3 : i32
      %add3A_176 = arith.addi %mul3A_100, %add3A_175 : i32
      %ge3A_177 = arith.constant 4 : i32
      %ge3A_178 = arith.cmpi sge, %add3A_176, %ge3A_177 : i32
      %convert_element_type3A_179 = arith.extui %ge3A_178 : i1 to i32
      %cond3A_180 = arith.constant 0 : i32
      %cond3A_181 = arith.cmpi ne, %convert_element_type3A_179, %cond3A_180 : i32
      scf.if %cond3A_181 {
        %sub3A_305 = arith.constant 4 : i32
        %sub3A_306 = arith.subi %add3A_176, %sub3A_305 : i32
        %dma_wait3A_307 = arith.constant 0 : i32
        %dma_wait3A_308 = tpu.memref_slice %arg6[%sub3A_306, %dma_wait3A_307] : memref<80x128xi32, #tpu.memory_space<vmem>> -> memref<1x128xi32, #tpu.memory_space<vmem>>
        %dma_wait3A_309 = tpu.memref_squeeze %dma_wait3A_308 : memref<1x128xi32, #tpu.memory_space<vmem>> -> memref<128xi32, #tpu.memory_space<vmem>>
        %dma_wait3A_310 = arith.constant 0 : i32
        %dma_wait3A_311 = arith.constant 0 : i32
        %dma_wait3A_312 = tpu.memref_slice %arg33[%dma_wait3A_310, %dma_wait3A_311] : memref<10240x16xf32, #tpu.memory_space<vmem_shared>> -> memref<10240x16xf32, #tpu.memory_space<vmem_shared>>
        tpu.wait_indirect_dma semaphore(%arg32 : memref<!tpu.dma_semaphore, #tpu.memory_space<semaphore_mem>>) src(%arg15 : memref<128x16xf32, #tpu.memory_space<vmem>>) dst(%dma_wait3A_312 : memref<10240x16xf32, #tpu.memory_space<vmem_shared>>)
      } else {
      }
      %add3A_182 = arith.constant 4 : i32
      %add3A_183 = arith.addi %add3A_176, %add3A_182 : i32
      %lt3A_184 = arith.constant 80 : i32
      %lt3A_185 = arith.cmpi slt, %add3A_183, %lt3A_184 : i32
      %convert_element_type3A_186 = arith.extui %lt3A_185 : i1 to i32
      %cond3A_187 = arith.constant 0 : i32
      %cond3A_188 = arith.cmpi ne, %convert_element_type3A_186, %cond3A_187 : i32
      scf.if %cond3A_188 {
        %add3A_305 = arith.constant 4 : i32
        %add3A_306 = arith.addi %add3A_176, %add3A_305 : i32
        %dma_start3A_307 = arith.constant 0 : i32
        %dma_start3A_308 = tpu.memref_slice %arg5[%add3A_306, %dma_start3A_307] : memref<80x128xi32, #tpu.memory_space<vmem>> -> memref<1x128xi32, #tpu.memory_space<vmem>>
        %dma_start3A_309 = tpu.memref_squeeze %dma_start3A_308 : memref<1x128xi32, #tpu.memory_space<vmem>> -> memref<128xi32, #tpu.memory_space<vmem>>
        %dma_start3A_310 = arith.constant 0 : i32
        %dma_start3A_311 = arith.constant 0 : i32
        %dma_start3A_312 = tpu.memref_slice %arg3[%dma_start3A_310, %dma_start3A_311] : memref<1310720x16xf32, #tpu.memory_space<hbm>> -> memref<1310720x16xf32, #tpu.memory_space<hbm>>
        tpu.enqueue_indirect_dma source(%dma_start3A_312 : memref<1310720x16xf32, #tpu.memory_space<hbm>>) target(%arg15 : memref<128x16xf32, #tpu.memory_space<vmem>>) offsets(%dma_start3A_309 : memref<128xi32, #tpu.memory_space<vmem>>) semaphore(%arg24 : memref<!tpu.dma_semaphore, #tpu.memory_space<semaphore_mem>>)
      } else {
      }
      %dma_wait3A_189 = arith.constant 0 : i32
      %dma_wait3A_190 = tpu.memref_slice %arg5[%add3A_176, %dma_wait3A_189] : memref<80x128xi32, #tpu.memory_space<vmem>> -> memref<1x128xi32, #tpu.memory_space<vmem>>
      %dma_wait3A_191 = tpu.memref_squeeze %dma_wait3A_190 : memref<1x128xi32, #tpu.memory_space<vmem>> -> memref<128xi32, #tpu.memory_space<vmem>>
      %dma_wait3A_192 = arith.constant 0 : i32
      %dma_wait3A_193 = arith.constant 0 : i32
      %dma_wait3A_194 = tpu.memref_slice %arg3[%dma_wait3A_192, %dma_wait3A_193] : memref<1310720x16xf32, #tpu.memory_space<hbm>> -> memref<1310720x16xf32, #tpu.memory_space<hbm>>
      tpu.wait_indirect_dma semaphore(%arg20 : memref<!tpu.dma_semaphore, #tpu.memory_space<semaphore_mem>>) src(%dma_wait3A_194 : memref<1310720x16xf32, #tpu.memory_space<hbm>>) dst(%arg11 : memref<128x16xf32, #tpu.memory_space<vmem>>)
      %dma_start3A_195 = arith.constant 0 : i32
      %dma_start3A_196 = tpu.memref_slice %arg6[%add3A_176, %dma_start3A_195] : memref<80x128xi32, #tpu.memory_space<vmem>> -> memref<1x128xi32, #tpu.memory_space<vmem>>
      %dma_start3A_197 = tpu.memref_squeeze %dma_start3A_196 : memref<1x128xi32, #tpu.memory_space<vmem>> -> memref<128xi32, #tpu.memory_space<vmem>>
      %dma_start3A_198 = arith.constant 0 : i32
      %dma_start3A_199 = arith.constant 0 : i32
      %dma_start3A_200 = tpu.memref_slice %arg33[%dma_start3A_198, %dma_start3A_199] : memref<10240x16xf32, #tpu.memory_space<vmem_shared>> -> memref<10240x16xf32, #tpu.memory_space<vmem_shared>>
      tpu.enqueue_indirect_dma source(%arg11 : memref<128x16xf32, #tpu.memory_space<vmem>>) target(%dma_start3A_200 : memref<10240x16xf32, #tpu.memory_space<vmem_shared>>) offsets(%dma_start3A_197 : memref<128xi32, #tpu.memory_space<vmem>>) semaphore(%arg28 : memref<!tpu.dma_semaphore, #tpu.memory_space<semaphore_mem>>) {add = true}
      %add3A_201 = arith.constant 4 : i32
      %add3A_202 = arith.addi %mul3A_100, %add3A_201 : i32
      %ge3A_203 = arith.constant 4 : i32
      %ge3A_204 = arith.cmpi sge, %add3A_202, %ge3A_203 : i32
      %convert_element_type3A_205 = arith.extui %ge3A_204 : i1 to i32
      %cond3A_206 = arith.constant 0 : i32
      %cond3A_207 = arith.cmpi ne, %convert_element_type3A_205, %cond3A_206 : i32
      scf.if %cond3A_207 {
        %sub3A_305 = arith.constant 4 : i32
        %sub3A_306 = arith.subi %add3A_202, %sub3A_305 : i32
        %dma_wait3A_307 = arith.constant 0 : i32
        %dma_wait3A_308 = tpu.memref_slice %arg6[%sub3A_306, %dma_wait3A_307] : memref<80x128xi32, #tpu.memory_space<vmem>> -> memref<1x128xi32, #tpu.memory_space<vmem>>
        %dma_wait3A_309 = tpu.memref_squeeze %dma_wait3A_308 : memref<1x128xi32, #tpu.memory_space<vmem>> -> memref<128xi32, #tpu.memory_space<vmem>>
        %dma_wait3A_310 = arith.constant 0 : i32
        %dma_wait3A_311 = arith.constant 0 : i32
        %dma_wait3A_312 = tpu.memref_slice %arg33[%dma_wait3A_310, %dma_wait3A_311] : memref<10240x16xf32, #tpu.memory_space<vmem_shared>> -> memref<10240x16xf32, #tpu.memory_space<vmem_shared>>
        tpu.wait_indirect_dma semaphore(%arg25 : memref<!tpu.dma_semaphore, #tpu.memory_space<semaphore_mem>>) src(%arg8 : memref<128x16xf32, #tpu.memory_space<vmem>>) dst(%dma_wait3A_312 : memref<10240x16xf32, #tpu.memory_space<vmem_shared>>)
      } else {
      }
      %add3A_208 = arith.constant 4 : i32
      %add3A_209 = arith.addi %add3A_202, %add3A_208 : i32
      %lt3A_210 = arith.constant 80 : i32
      %lt3A_211 = arith.cmpi slt, %add3A_209, %lt3A_210 : i32
      %convert_element_type3A_212 = arith.extui %lt3A_211 : i1 to i32
      %cond3A_213 = arith.constant 0 : i32
      %cond3A_214 = arith.cmpi ne, %convert_element_type3A_212, %cond3A_213 : i32
      scf.if %cond3A_214 {
        %add3A_305 = arith.constant 4 : i32
        %add3A_306 = arith.addi %add3A_202, %add3A_305 : i32
        %dma_start3A_307 = arith.constant 0 : i32
        %dma_start3A_308 = tpu.memref_slice %arg5[%add3A_306, %dma_start3A_307] : memref<80x128xi32, #tpu.memory_space<vmem>> -> memref<1x128xi32, #tpu.memory_space<vmem>>
        %dma_start3A_309 = tpu.memref_squeeze %dma_start3A_308 : memref<1x128xi32, #tpu.memory_space<vmem>> -> memref<128xi32, #tpu.memory_space<vmem>>
        %dma_start3A_310 = arith.constant 0 : i32
        %dma_start3A_311 = arith.constant 0 : i32
        %dma_start3A_312 = tpu.memref_slice %arg3[%dma_start3A_310, %dma_start3A_311] : memref<1310720x16xf32, #tpu.memory_space<hbm>> -> memref<1310720x16xf32, #tpu.memory_space<hbm>>
        tpu.enqueue_indirect_dma source(%dma_start3A_312 : memref<1310720x16xf32, #tpu.memory_space<hbm>>) target(%arg8 : memref<128x16xf32, #tpu.memory_space<vmem>>) offsets(%dma_start3A_309 : memref<128xi32, #tpu.memory_space<vmem>>) semaphore(%arg17 : memref<!tpu.dma_semaphore, #tpu.memory_space<semaphore_mem>>)
      } else {
      }
      %dma_wait3A_215 = arith.constant 0 : i32
      %dma_wait3A_216 = tpu.memref_slice %arg5[%add3A_202, %dma_wait3A_215] : memref<80x128xi32, #tpu.memory_space<vmem>> -> memref<1x128xi32, #tpu.memory_space<vmem>>
      %dma_wait3A_217 = tpu.memref_squeeze %dma_wait3A_216 : memref<1x128xi32, #tpu.memory_space<vmem>> -> memref<128xi32, #tpu.memory_space<vmem>>
      %dma_wait3A_218 = arith.constant 0 : i32
      %dma_wait3A_219 = arith.constant 0 : i32
      %dma_wait3A_220 = tpu.memref_slice %arg3[%dma_wait3A_218, %dma_wait3A_219] : memref<1310720x16xf32, #tpu.memory_space<hbm>> -> memref<1310720x16xf32, #tpu.memory_space<hbm>>
      tpu.wait_indirect_dma semaphore(%arg21 : memref<!tpu.dma_semaphore, #tpu.memory_space<semaphore_mem>>) src(%dma_wait3A_220 : memref<1310720x16xf32, #tpu.memory_space<hbm>>) dst(%arg12 : memref<128x16xf32, #tpu.memory_space<vmem>>)
      %dma_start3A_221 = arith.constant 0 : i32
      %dma_start3A_222 = tpu.memref_slice %arg6[%add3A_202, %dma_start3A_221] : memref<80x128xi32, #tpu.memory_space<vmem>> -> memref<1x128xi32, #tpu.memory_space<vmem>>
      %dma_start3A_223 = tpu.memref_squeeze %dma_start3A_222 : memref<1x128xi32, #tpu.memory_space<vmem>> -> memref<128xi32, #tpu.memory_space<vmem>>
      %dma_start3A_224 = arith.constant 0 : i32
      %dma_start3A_225 = arith.constant 0 : i32
      %dma_start3A_226 = tpu.memref_slice %arg33[%dma_start3A_224, %dma_start3A_225] : memref<10240x16xf32, #tpu.memory_space<vmem_shared>> -> memref<10240x16xf32, #tpu.memory_space<vmem_shared>>
      tpu.enqueue_indirect_dma source(%arg12 : memref<128x16xf32, #tpu.memory_space<vmem>>) target(%dma_start3A_226 : memref<10240x16xf32, #tpu.memory_space<vmem_shared>>) offsets(%dma_start3A_223 : memref<128xi32, #tpu.memory_space<vmem>>) semaphore(%arg29 : memref<!tpu.dma_semaphore, #tpu.memory_space<semaphore_mem>>) {add = true}
      %add3A_227 = arith.constant 5 : i32
      %add3A_228 = arith.addi %mul3A_100, %add3A_227 : i32
      %ge3A_229 = arith.constant 4 : i32
      %ge3A_230 = arith.cmpi sge, %add3A_228, %ge3A_229 : i32
      %convert_element_type3A_231 = arith.extui %ge3A_230 : i1 to i32
      %cond3A_232 = arith.constant 0 : i32
      %cond3A_233 = arith.cmpi ne, %convert_element_type3A_231, %cond3A_232 : i32
      scf.if %cond3A_233 {
        %sub3A_305 = arith.constant 4 : i32
        %sub3A_306 = arith.subi %add3A_228, %sub3A_305 : i32
        %dma_wait3A_307 = arith.constant 0 : i32
        %dma_wait3A_308 = tpu.memref_slice %arg6[%sub3A_306, %dma_wait3A_307] : memref<80x128xi32, #tpu.memory_space<vmem>> -> memref<1x128xi32, #tpu.memory_space<vmem>>
        %dma_wait3A_309 = tpu.memref_squeeze %dma_wait3A_308 : memref<1x128xi32, #tpu.memory_space<vmem>> -> memref<128xi32, #tpu.memory_space<vmem>>
        %dma_wait3A_310 = arith.constant 0 : i32
        %dma_wait3A_311 = arith.constant 0 : i32
        %dma_wait3A_312 = tpu.memref_slice %arg33[%dma_wait3A_310, %dma_wait3A_311] : memref<10240x16xf32, #tpu.memory_space<vmem_shared>> -> memref<10240x16xf32, #tpu.memory_space<vmem_shared>>
        tpu.wait_indirect_dma semaphore(%arg26 : memref<!tpu.dma_semaphore, #tpu.memory_space<semaphore_mem>>) src(%arg9 : memref<128x16xf32, #tpu.memory_space<vmem>>) dst(%dma_wait3A_312 : memref<10240x16xf32, #tpu.memory_space<vmem_shared>>)
      } else {
      }
      %add3A_234 = arith.constant 4 : i32
      %add3A_235 = arith.addi %add3A_228, %add3A_234 : i32
      %lt3A_236 = arith.constant 80 : i32
      %lt3A_237 = arith.cmpi slt, %add3A_235, %lt3A_236 : i32
      %convert_element_type3A_238 = arith.extui %lt3A_237 : i1 to i32
      %cond3A_239 = arith.constant 0 : i32
      %cond3A_240 = arith.cmpi ne, %convert_element_type3A_238, %cond3A_239 : i32
      scf.if %cond3A_240 {
        %add3A_305 = arith.constant 4 : i32
        %add3A_306 = arith.addi %add3A_228, %add3A_305 : i32
        %dma_start3A_307 = arith.constant 0 : i32
        %dma_start3A_308 = tpu.memref_slice %arg5[%add3A_306, %dma_start3A_307] : memref<80x128xi32, #tpu.memory_space<vmem>> -> memref<1x128xi32, #tpu.memory_space<vmem>>
        %dma_start3A_309 = tpu.memref_squeeze %dma_start3A_308 : memref<1x128xi32, #tpu.memory_space<vmem>> -> memref<128xi32, #tpu.memory_space<vmem>>
        %dma_start3A_310 = arith.constant 0 : i32
        %dma_start3A_311 = arith.constant 0 : i32
        %dma_start3A_312 = tpu.memref_slice %arg3[%dma_start3A_310, %dma_start3A_311] : memref<1310720x16xf32, #tpu.memory_space<hbm>> -> memref<1310720x16xf32, #tpu.memory_space<hbm>>
        tpu.enqueue_indirect_dma source(%dma_start3A_312 : memref<1310720x16xf32, #tpu.memory_space<hbm>>) target(%arg9 : memref<128x16xf32, #tpu.memory_space<vmem>>) offsets(%dma_start3A_309 : memref<128xi32, #tpu.memory_space<vmem>>) semaphore(%arg18 : memref<!tpu.dma_semaphore, #tpu.memory_space<semaphore_mem>>)
      } else {
      }
      %dma_wait3A_241 = arith.constant 0 : i32
      %dma_wait3A_242 = tpu.memref_slice %arg5[%add3A_228, %dma_wait3A_241] : memref<80x128xi32, #tpu.memory_space<vmem>> -> memref<1x128xi32, #tpu.memory_space<vmem>>
      %dma_wait3A_243 = tpu.memref_squeeze %dma_wait3A_242 : memref<1x128xi32, #tpu.memory_space<vmem>> -> memref<128xi32, #tpu.memory_space<vmem>>
      %dma_wait3A_244 = arith.constant 0 : i32
      %dma_wait3A_245 = arith.constant 0 : i32
      %dma_wait3A_246 = tpu.memref_slice %arg3[%dma_wait3A_244, %dma_wait3A_245] : memref<1310720x16xf32, #tpu.memory_space<hbm>> -> memref<1310720x16xf32, #tpu.memory_space<hbm>>
      tpu.wait_indirect_dma semaphore(%arg22 : memref<!tpu.dma_semaphore, #tpu.memory_space<semaphore_mem>>) src(%dma_wait3A_246 : memref<1310720x16xf32, #tpu.memory_space<hbm>>) dst(%arg13 : memref<128x16xf32, #tpu.memory_space<vmem>>)
      %dma_start3A_247 = arith.constant 0 : i32
      %dma_start3A_248 = tpu.memref_slice %arg6[%add3A_228, %dma_start3A_247] : memref<80x128xi32, #tpu.memory_space<vmem>> -> memref<1x128xi32, #tpu.memory_space<vmem>>
      %dma_start3A_249 = tpu.memref_squeeze %dma_start3A_248 : memref<1x128xi32, #tpu.memory_space<vmem>> -> memref<128xi32, #tpu.memory_space<vmem>>
      %dma_start3A_250 = arith.constant 0 : i32
      %dma_start3A_251 = arith.constant 0 : i32
      %dma_start3A_252 = tpu.memref_slice %arg33[%dma_start3A_250, %dma_start3A_251] : memref<10240x16xf32, #tpu.memory_space<vmem_shared>> -> memref<10240x16xf32, #tpu.memory_space<vmem_shared>>
      tpu.enqueue_indirect_dma source(%arg13 : memref<128x16xf32, #tpu.memory_space<vmem>>) target(%dma_start3A_252 : memref<10240x16xf32, #tpu.memory_space<vmem_shared>>) offsets(%dma_start3A_249 : memref<128xi32, #tpu.memory_space<vmem>>) semaphore(%arg30 : memref<!tpu.dma_semaphore, #tpu.memory_space<semaphore_mem>>) {add = true}
      %add3A_253 = arith.constant 6 : i32
      %add3A_254 = arith.addi %mul3A_100, %add3A_253 : i32
      %ge3A_255 = arith.constant 4 : i32
      %ge3A_256 = arith.cmpi sge, %add3A_254, %ge3A_255 : i32
      %convert_element_type3A_257 = arith.extui %ge3A_256 : i1 to i32
      %cond3A_258 = arith.constant 0 : i32
      %cond3A_259 = arith.cmpi ne, %convert_element_type3A_257, %cond3A_258 : i32
      scf.if %cond3A_259 {
        %sub3A_305 = arith.constant 4 : i32
        %sub3A_306 = arith.subi %add3A_254, %sub3A_305 : i32
        %dma_wait3A_307 = arith.constant 0 : i32
        %dma_wait3A_308 = tpu.memref_slice %arg6[%sub3A_306, %dma_wait3A_307] : memref<80x128xi32, #tpu.memory_space<vmem>> -> memref<1x128xi32, #tpu.memory_space<vmem>>
        %dma_wait3A_309 = tpu.memref_squeeze %dma_wait3A_308 : memref<1x128xi32, #tpu.memory_space<vmem>> -> memref<128xi32, #tpu.memory_space<vmem>>
        %dma_wait3A_310 = arith.constant 0 : i32
        %dma_wait3A_311 = arith.constant 0 : i32
        %dma_wait3A_312 = tpu.memref_slice %arg33[%dma_wait3A_310, %dma_wait3A_311] : memref<10240x16xf32, #tpu.memory_space<vmem_shared>> -> memref<10240x16xf32, #tpu.memory_space<vmem_shared>>
        tpu.wait_indirect_dma semaphore(%arg27 : memref<!tpu.dma_semaphore, #tpu.memory_space<semaphore_mem>>) src(%arg10 : memref<128x16xf32, #tpu.memory_space<vmem>>) dst(%dma_wait3A_312 : memref<10240x16xf32, #tpu.memory_space<vmem_shared>>)
      } else {
      }
      %add3A_260 = arith.constant 4 : i32
      %add3A_261 = arith.addi %add3A_254, %add3A_260 : i32
      %lt3A_262 = arith.constant 80 : i32
      %lt3A_263 = arith.cmpi slt, %add3A_261, %lt3A_262 : i32
      %convert_element_type3A_264 = arith.extui %lt3A_263 : i1 to i32
      %cond3A_265 = arith.constant 0 : i32
      %cond3A_266 = arith.cmpi ne, %convert_element_type3A_264, %cond3A_265 : i32
      scf.if %cond3A_266 {
        %add3A_305 = arith.constant 4 : i32
        %add3A_306 = arith.addi %add3A_254, %add3A_305 : i32
        %dma_start3A_307 = arith.constant 0 : i32
        %dma_start3A_308 = tpu.memref_slice %arg5[%add3A_306, %dma_start3A_307] : memref<80x128xi32, #tpu.memory_space<vmem>> -> memref<1x128xi32, #tpu.memory_space<vmem>>
        %dma_start3A_309 = tpu.memref_squeeze %dma_start3A_308 : memref<1x128xi32, #tpu.memory_space<vmem>> -> memref<128xi32, #tpu.memory_space<vmem>>
        %dma_start3A_310 = arith.constant 0 : i32
        %dma_start3A_311 = arith.constant 0 : i32
        %dma_start3A_312 = tpu.memref_slice %arg3[%dma_start3A_310, %dma_start3A_311] : memref<1310720x16xf32, #tpu.memory_space<hbm>> -> memref<1310720x16xf32, #tpu.memory_space<hbm>>
        tpu.enqueue_indirect_dma source(%dma_start3A_312 : memref<1310720x16xf32, #tpu.memory_space<hbm>>) target(%arg10 : memref<128x16xf32, #tpu.memory_space<vmem>>) offsets(%dma_start3A_309 : memref<128xi32, #tpu.memory_space<vmem>>) semaphore(%arg19 : memref<!tpu.dma_semaphore, #tpu.memory_space<semaphore_mem>>)
      } else {
      }
      %dma_wait3A_267 = arith.constant 0 : i32
      %dma_wait3A_268 = tpu.memref_slice %arg5[%add3A_254, %dma_wait3A_267] : memref<80x128xi32, #tpu.memory_space<vmem>> -> memref<1x128xi32, #tpu.memory_space<vmem>>
      %dma_wait3A_269 = tpu.memref_squeeze %dma_wait3A_268 : memref<1x128xi32, #tpu.memory_space<vmem>> -> memref<128xi32, #tpu.memory_space<vmem>>
      %dma_wait3A_270 = arith.constant 0 : i32
      %dma_wait3A_271 = arith.constant 0 : i32
      %dma_wait3A_272 = tpu.memref_slice %arg3[%dma_wait3A_270, %dma_wait3A_271] : memref<1310720x16xf32, #tpu.memory_space<hbm>> -> memref<1310720x16xf32, #tpu.memory_space<hbm>>
      tpu.wait_indirect_dma semaphore(%arg23 : memref<!tpu.dma_semaphore, #tpu.memory_space<semaphore_mem>>) src(%dma_wait3A_272 : memref<1310720x16xf32, #tpu.memory_space<hbm>>) dst(%arg14 : memref<128x16xf32, #tpu.memory_space<vmem>>)
      %dma_start3A_273 = arith.constant 0 : i32
      %dma_start3A_274 = tpu.memref_slice %arg6[%add3A_254, %dma_start3A_273] : memref<80x128xi32, #tpu.memory_space<vmem>> -> memref<1x128xi32, #tpu.memory_space<vmem>>
      %dma_start3A_275 = tpu.memref_squeeze %dma_start3A_274 : memref<1x128xi32, #tpu.memory_space<vmem>> -> memref<128xi32, #tpu.memory_space<vmem>>
      %dma_start3A_276 = arith.constant 0 : i32
      %dma_start3A_277 = arith.constant 0 : i32
      %dma_start3A_278 = tpu.memref_slice %arg33[%dma_start3A_276, %dma_start3A_277] : memref<10240x16xf32, #tpu.memory_space<vmem_shared>> -> memref<10240x16xf32, #tpu.memory_space<vmem_shared>>
      tpu.enqueue_indirect_dma source(%arg14 : memref<128x16xf32, #tpu.memory_space<vmem>>) target(%dma_start3A_278 : memref<10240x16xf32, #tpu.memory_space<vmem_shared>>) offsets(%dma_start3A_275 : memref<128xi32, #tpu.memory_space<vmem>>) semaphore(%arg31 : memref<!tpu.dma_semaphore, #tpu.memory_space<semaphore_mem>>) {add = true}
      %add3A_279 = arith.constant 7 : i32
      %add3A_280 = arith.addi %mul3A_100, %add3A_279 : i32
      %ge3A_281 = arith.constant 4 : i32
      %ge3A_282 = arith.cmpi sge, %add3A_280, %ge3A_281 : i32
      %convert_element_type3A_283 = arith.extui %ge3A_282 : i1 to i32
      %cond3A_284 = arith.constant 0 : i32
      %cond3A_285 = arith.cmpi ne, %convert_element_type3A_283, %cond3A_284 : i32
      scf.if %cond3A_285 {
        %sub3A_305 = arith.constant 4 : i32
        %sub3A_306 = arith.subi %add3A_280, %sub3A_305 : i32
        %dma_wait3A_307 = arith.constant 0 : i32
        %dma_wait3A_308 = tpu.memref_slice %arg6[%sub3A_306, %dma_wait3A_307] : memref<80x128xi32, #tpu.memory_space<vmem>> -> memref<1x128xi32, #tpu.memory_space<vmem>>
        %dma_wait3A_309 = tpu.memref_squeeze %dma_wait3A_308 : memref<1x128xi32, #tpu.memory_space<vmem>> -> memref<128xi32, #tpu.memory_space<vmem>>
        %dma_wait3A_310 = arith.constant 0 : i32
        %dma_wait3A_311 = arith.constant 0 : i32
        %dma_wait3A_312 = tpu.memref_slice %arg33[%dma_wait3A_310, %dma_wait3A_311] : memref<10240x16xf32, #tpu.memory_space<vmem_shared>> -> memref<10240x16xf32, #tpu.memory_space<vmem_shared>>
        tpu.wait_indirect_dma semaphore(%arg28 : memref<!tpu.dma_semaphore, #tpu.memory_space<semaphore_mem>>) src(%arg11 : memref<128x16xf32, #tpu.memory_space<vmem>>) dst(%dma_wait3A_312 : memref<10240x16xf32, #tpu.memory_space<vmem_shared>>)
      } else {
      }
      %add3A_286 = arith.constant 4 : i32
      %add3A_287 = arith.addi %add3A_280, %add3A_286 : i32
      %lt3A_288 = arith.constant 80 : i32
      %lt3A_289 = arith.cmpi slt, %add3A_287, %lt3A_288 : i32
      %convert_element_type3A_290 = arith.extui %lt3A_289 : i1 to i32
      %cond3A_291 = arith.constant 0 : i32
      %cond3A_292 = arith.cmpi ne, %convert_element_type3A_290, %cond3A_291 : i32
      scf.if %cond3A_292 {
        %add3A_305 = arith.constant 4 : i32
        %add3A_306 = arith.addi %add3A_280, %add3A_305 : i32
        %dma_start3A_307 = arith.constant 0 : i32
        %dma_start3A_308 = tpu.memref_slice %arg5[%add3A_306, %dma_start3A_307] : memref<80x128xi32, #tpu.memory_space<vmem>> -> memref<1x128xi32, #tpu.memory_space<vmem>>
        %dma_start3A_309 = tpu.memref_squeeze %dma_start3A_308 : memref<1x128xi32, #tpu.memory_space<vmem>> -> memref<128xi32, #tpu.memory_space<vmem>>
        %dma_start3A_310 = arith.constant 0 : i32
        %dma_start3A_311 = arith.constant 0 : i32
        %dma_start3A_312 = tpu.memref_slice %arg3[%dma_start3A_310, %dma_start3A_311] : memref<1310720x16xf32, #tpu.memory_space<hbm>> -> memref<1310720x16xf32, #tpu.memory_space<hbm>>
        tpu.enqueue_indirect_dma source(%dma_start3A_312 : memref<1310720x16xf32, #tpu.memory_space<hbm>>) target(%arg11 : memref<128x16xf32, #tpu.memory_space<vmem>>) offsets(%dma_start3A_309 : memref<128xi32, #tpu.memory_space<vmem>>) semaphore(%arg20 : memref<!tpu.dma_semaphore, #tpu.memory_space<semaphore_mem>>)
      } else {
      }
      %dma_wait3A_293 = arith.constant 0 : i32
      %dma_wait3A_294 = tpu.memref_slice %arg5[%add3A_280, %dma_wait3A_293] : memref<80x128xi32, #tpu.memory_space<vmem>> -> memref<1x128xi32, #tpu.memory_space<vmem>>
      %dma_wait3A_295 = tpu.memref_squeeze %dma_wait3A_294 : memref<1x128xi32, #tpu.memory_space<vmem>> -> memref<128xi32, #tpu.memory_space<vmem>>
      %dma_wait3A_296 = arith.constant 0 : i32
      %dma_wait3A_297 = arith.constant 0 : i32
      %dma_wait3A_298 = tpu.memref_slice %arg3[%dma_wait3A_296, %dma_wait3A_297] : memref<1310720x16xf32, #tpu.memory_space<hbm>> -> memref<1310720x16xf32, #tpu.memory_space<hbm>>
      tpu.wait_indirect_dma semaphore(%arg24 : memref<!tpu.dma_semaphore, #tpu.memory_space<semaphore_mem>>) src(%dma_wait3A_298 : memref<1310720x16xf32, #tpu.memory_space<hbm>>) dst(%arg15 : memref<128x16xf32, #tpu.memory_space<vmem>>)
      %dma_start3A_299 = arith.constant 0 : i32
      %dma_start3A_300 = tpu.memref_slice %arg6[%add3A_280, %dma_start3A_299] : memref<80x128xi32, #tpu.memory_space<vmem>> -> memref<1x128xi32, #tpu.memory_space<vmem>>
      %dma_start3A_301 = tpu.memref_squeeze %dma_start3A_300 : memref<1x128xi32, #tpu.memory_space<vmem>> -> memref<128xi32, #tpu.memory_space<vmem>>
      %dma_start3A_302 = arith.constant 0 : i32
      %dma_start3A_303 = arith.constant 0 : i32
      %dma_start3A_304 = tpu.memref_slice %arg33[%dma_start3A_302, %dma_start3A_303] : memref<10240x16xf32, #tpu.memory_space<vmem_shared>> -> memref<10240x16xf32, #tpu.memory_space<vmem_shared>>
      tpu.enqueue_indirect_dma source(%arg15 : memref<128x16xf32, #tpu.memory_space<vmem>>) target(%dma_start3A_304 : memref<10240x16xf32, #tpu.memory_space<vmem_shared>>) offsets(%dma_start3A_301 : memref<128xi32, #tpu.memory_space<vmem>>) semaphore(%arg32 : memref<!tpu.dma_semaphore, #tpu.memory_space<semaphore_mem>>) {add = true}
    }
    %scan3A_65 = arith.constant 10 : i32
    %dma_wait3A = arith.constant 76 : i32
    %dma_wait3A_66 = arith.constant 0 : i32
    %dma_wait3A_67 = tpu.memref_slice %arg6[%dma_wait3A, %dma_wait3A_66] : memref<80x128xi32, #tpu.memory_space<vmem>> -> memref<1x128xi32, #tpu.memory_space<vmem>>
    %dma_wait3A_68 = tpu.memref_squeeze %dma_wait3A_67 : memref<1x128xi32, #tpu.memory_space<vmem>> -> memref<128xi32, #tpu.memory_space<vmem>>
    %dma_wait3A_69 = arith.constant 0 : i32
    %dma_wait3A_70 = arith.constant 0 : i32
    %dma_wait3A_71 = tpu.memref_slice %arg33[%dma_wait3A_69, %dma_wait3A_70] : memref<10240x16xf32, #tpu.memory_space<vmem_shared>> -> memref<10240x16xf32, #tpu.memory_space<vmem_shared>>
    tpu.wait_indirect_dma semaphore(%arg29 : memref<!tpu.dma_semaphore, #tpu.memory_space<semaphore_mem>>) src(%arg12 : memref<128x16xf32, #tpu.memory_space<vmem>>) dst(%dma_wait3A_71 : memref<10240x16xf32, #tpu.memory_space<vmem_shared>>)
    %dma_wait3A_72 = arith.constant 77 : i32
    %dma_wait3A_73 = arith.constant 0 : i32
    %dma_wait3A_74 = tpu.memref_slice %arg6[%dma_wait3A_72, %dma_wait3A_73] : memref<80x128xi32, #tpu.memory_space<vmem>> -> memref<1x128xi32, #tpu.memory_space<vmem>>
    %dma_wait3A_75 = tpu.memref_squeeze %dma_wait3A_74 : memref<1x128xi32, #tpu.memory_space<vmem>> -> memref<128xi32, #tpu.memory_space<vmem>>
    %dma_wait3A_76 = arith.constant 0 : i32
    %dma_wait3A_77 = arith.constant 0 : i32
    %dma_wait3A_78 = tpu.memref_slice %arg33[%dma_wait3A_76, %dma_wait3A_77] : memref<10240x16xf32, #tpu.memory_space<vmem_shared>> -> memref<10240x16xf32, #tpu.memory_space<vmem_shared>>
    tpu.wait_indirect_dma semaphore(%arg30 : memref<!tpu.dma_semaphore, #tpu.memory_space<semaphore_mem>>) src(%arg13 : memref<128x16xf32, #tpu.memory_space<vmem>>) dst(%dma_wait3A_78 : memref<10240x16xf32, #tpu.memory_space<vmem_shared>>)
    %dma_wait3A_79 = arith.constant 78 : i32
    %dma_wait3A_80 = arith.constant 0 : i32
    %dma_wait3A_81 = tpu.memref_slice %arg6[%dma_wait3A_79, %dma_wait3A_80] : memref<80x128xi32, #tpu.memory_space<vmem>> -> memref<1x128xi32, #tpu.memory_space<vmem>>
    %dma_wait3A_82 = tpu.memref_squeeze %dma_wait3A_81 : memref<1x128xi32, #tpu.memory_space<vmem>> -> memref<128xi32, #tpu.memory_space<vmem>>
    %dma_wait3A_83 = arith.constant 0 : i32
    %dma_wait3A_84 = arith.constant 0 : i32
    %dma_wait3A_85 = tpu.memref_slice %arg33[%dma_wait3A_83, %dma_wait3A_84] : memref<10240x16xf32, #tpu.memory_space<vmem_shared>> -> memref<10240x16xf32, #tpu.memory_space<vmem_shared>>
    tpu.wait_indirect_dma semaphore(%arg31 : memref<!tpu.dma_semaphore, #tpu.memory_space<semaphore_mem>>) src(%arg14 : memref<128x16xf32, #tpu.memory_space<vmem>>) dst(%dma_wait3A_85 : memref<10240x16xf32, #tpu.memory_space<vmem_shared>>)
    %dma_wait3A_86 = arith.constant 79 : i32
    %dma_wait3A_87 = arith.constant 0 : i32
    %dma_wait3A_88 = tpu.memref_slice %arg6[%dma_wait3A_86, %dma_wait3A_87] : memref<80x128xi32, #tpu.memory_space<vmem>> -> memref<1x128xi32, #tpu.memory_space<vmem>>
    %dma_wait3A_89 = tpu.memref_squeeze %dma_wait3A_88 : memref<1x128xi32, #tpu.memory_space<vmem>> -> memref<128xi32, #tpu.memory_space<vmem>>
    %dma_wait3A_90 = arith.constant 0 : i32
    %dma_wait3A_91 = arith.constant 0 : i32
    %dma_wait3A_92 = tpu.memref_slice %arg33[%dma_wait3A_90, %dma_wait3A_91] : memref<10240x16xf32, #tpu.memory_space<vmem_shared>> -> memref<10240x16xf32, #tpu.memory_space<vmem_shared>>
    tpu.wait_indirect_dma semaphore(%arg32 : memref<!tpu.dma_semaphore, #tpu.memory_space<semaphore_mem>>) src(%arg15 : memref<128x16xf32, #tpu.memory_space<vmem>>) dst(%dma_wait3A_92 : memref<10240x16xf32, #tpu.memory_space<vmem_shared>>)
    %barrier3A_93 = arith.constant 0 : index
    tpu.barrier barrier_id(%barrier3A_93)
    %mul3A_94 = arith.constant 640 : i32
    %mul3A_95 = arith.muli %arg1, %mul3A_94 : i32
    %mul3A_96 = arith.constant 640 : i32
    %mul3A_97 = arith.muli %arg1, %mul3A_96 : i32
    "tpu.region"() ({
      %run_scoped3A_98 = tpu.sem_alloc : memref<!tpu.dma_semaphore, #tpu.memory_space<semaphore_mem>>
      %dma_start3A_99 = arith.constant 0 : i32
      %dma_start3A_100 = tpu.memref_slice %arg4[%arg0, %mul3A_97, %dma_start3A_99] : memref<2x10240x16xf32, #tpu.memory_space<hbm>> -> memref<1x640x16xf32, #tpu.memory_space<hbm>>
      %dma_start3A_101 = tpu.memref_squeeze %dma_start3A_100 : memref<1x640x16xf32, #tpu.memory_space<hbm>> -> memref<640x16xf32, #tpu.memory_space<hbm>>
      %dma_start3A_102 = arith.constant 0 : i32
      %dma_start3A_103 = tpu.memref_slice %arg33[%mul3A_95, %dma_start3A_102] : memref<10240x16xf32, #tpu.memory_space<vmem_shared>> -> memref<640x16xf32, #tpu.memory_space<vmem_shared>>
      tpu.enqueue_dma source(%dma_start3A_103 : memref<640x16xf32, #tpu.memory_space<vmem_shared>>) target(%dma_start3A_101 : memref<640x16xf32, #tpu.memory_space<hbm>>) target_semaphore(%run_scoped3A_98 : memref<!tpu.dma_semaphore, #tpu.memory_space<semaphore_mem>>)
      %dma_wait3A_104 = arith.constant 0 : i32
      %dma_wait3A_105 = tpu.memref_slice %arg4[%arg0, %mul3A_97, %dma_wait3A_104] : memref<2x10240x16xf32, #tpu.memory_space<hbm>> -> memref<1x640x16xf32, #tpu.memory_space<hbm>>
      %dma_wait3A_106 = tpu.memref_squeeze %dma_wait3A_105 : memref<1x640x16xf32, #tpu.memory_space<hbm>> -> memref<640x16xf32, #tpu.memory_space<hbm>>
      %dma_wait3A_107 = arith.constant 0 : i32
      %dma_wait3A_108 = tpu.memref_slice %arg33[%mul3A_95, %dma_wait3A_107] : memref<10240x16xf32, #tpu.memory_space<vmem_shared>> -> memref<640x16xf32, #tpu.memory_space<vmem_shared>>
      tpu.wait_dma2 semaphore(%run_scoped3A_98 : memref<!tpu.dma_semaphore, #tpu.memory_space<semaphore_mem>>) src(%dma_wait3A_108 : memref<640x16xf32, #tpu.memory_space<vmem_shared>>) dst(%dma_wait3A_106 : memref<640x16xf32, #tpu.memory_space<hbm>>)
      tpu.yield
    }) : () -> ()
    return
  }
}

module attributes {stable_mosaic.version = 14 : i64} {
  func.func @_norm_body(%arg0: memref<64x256xf32, #tpu.memory_space<vmem>>, %arg1: memref<64x256xf32, #tpu.memory_space<vmem>>, %arg2: memref<64x256xf32, #tpu.memory_space<vmem>>, %arg3: memref<64x256xf32, #tpu.memory_space<vmem>>) attributes {dimension_semantics = [], scalar_prefetch = 0 : i64, scratch_operands = 0 : i64, tpu.core_type = #tpu.core_type<tc>} {
    %get3A = arith.constant 0 : index
    %get3A_0 = arith.constant 0 : index
    %get3A_1 = vector.load %arg0[%get3A, %get3A_0] : memref<64x256xf32, #tpu.memory_space<vmem>>, vector<64x256xf32>
    %mul3A = arith.mulf %get3A_1, %get3A_1 : vector<64x256xf32>
    %reduce_sum3A = arith.constant dense<0.000000e+00> : vector<64xf32>
    %reduce_sum3A_2 = vector.multi_reduction <add>, %mul3A, %reduce_sum3A [1] : vector<64x256xf32> to vector<64xf32>
    %broadcast_in_dim3A = vector.shape_cast %reduce_sum3A_2 : vector<64xf32> to vector<64x1xf32>
    %sqrt3A = math.sqrt %broadcast_in_dim3A : vector<64x1xf32>
    %add3A = arith.constant 0.00999999977 : f32
    %add3A_3 = vector.broadcast %add3A : f32 to vector<64x1xf32>
    %add3A_4 = arith.addf %sqrt3A, %add3A_3 : vector<64x1xf32>
    %div3A = vector.broadcast %add3A_4 : vector<64x1xf32> to vector<64x256xf32>
    %div3A_5 = arith.divf %get3A_1, %div3A : vector<64x256xf32>
    %swap3A = arith.constant 0 : index
    %swap3A_6 = arith.constant 0 : index
    %swap3A_7 = vector.load %arg2[%swap3A, %swap3A_6] : memref<64x256xf32, #tpu.memory_space<vmem>>, vector<64x256xf32>
    tpu.vector_store %arg2[%swap3A, %swap3A_6], %div3A_5 {strides = array<i32>} : memref<64x256xf32, #tpu.memory_space<vmem>>, vector<64x256xf32>,
    %get3A_8 = arith.constant 0 : index
    %get3A_9 = arith.constant 0 : index
    %get3A_10 = vector.load %arg1[%get3A_8, %get3A_9] : memref<64x256xf32, #tpu.memory_space<vmem>>, vector<64x256xf32>
    %mul3A_11 = arith.mulf %get3A_10, %get3A_10 : vector<64x256xf32>
    %reduce_sum3A_12 = arith.constant dense<0.000000e+00> : vector<64xf32>
    %reduce_sum3A_13 = vector.multi_reduction <add>, %mul3A_11, %reduce_sum3A_12 [1] : vector<64x256xf32> to vector<64xf32>
    %broadcast_in_dim3A_14 = vector.shape_cast %reduce_sum3A_13 : vector<64xf32> to vector<64x1xf32>
    %sqrt3A_15 = math.sqrt %broadcast_in_dim3A_14 : vector<64x1xf32>
    %add3A_16 = arith.constant 0.00999999977 : f32
    %add3A_17 = vector.broadcast %add3A_16 : f32 to vector<64x1xf32>
    %add3A_18 = arith.addf %sqrt3A_15, %add3A_17 : vector<64x1xf32>
    %div3A_19 = vector.broadcast %add3A_18 : vector<64x1xf32> to vector<64x256xf32>
    %div3A_20 = arith.divf %get3A_10, %div3A_19 : vector<64x256xf32>
    %swap3A_21 = arith.constant 0 : index
    %swap3A_22 = arith.constant 0 : index
    %swap3A_23 = vector.load %arg3[%swap3A_21, %swap3A_22] : memref<64x256xf32, #tpu.memory_space<vmem>>, vector<64x256xf32>
    tpu.vector_store %arg3[%swap3A_21, %swap3A_22], %div3A_20 {strides = array<i32>} : memref<64x256xf32, #tpu.memory_space<vmem>>, vector<64x256xf32>,
    return
  }
}

module attributes {stable_mosaic.version = 14 : i64} {
  func.func @_mm_body(%arg0: i32, %arg1: memref<10240x16xf32, #tpu.memory_space<vmem>>, %arg2: memref<2x16x10240xf32, #tpu.memory_space<vmem>>, %arg3: memref<1x32x256xf32, #tpu.memory_space<vmem>>, %arg4: memref<2x1x10240x128xf32, #tpu.memory_space<vmem>>, %arg5: memref<10240x32xf32, #tpu.memory_space<vmem>>) attributes {dimension_semantics = [#tpu.dimension_semantics<arbitrary>], iteration_bounds = array<i64: 8>, scalar_prefetch = 0 : i64, scratch_operands = 1 : i64, tpu.core_type = #tpu.core_type<tc>, window_params = [{pipeline_mode = #tpu.pipeline_mode<synchronous>, transform_indices = @transform_0, window_bounds = array<i64: 10240, 16>}, {pipeline_mode = #tpu.pipeline_mode<synchronous>, transform_indices = @transform_1, window_bounds = array<i64: 2, 16, 10240>}, {transform_indices = @transform_2, window_bounds = array<i64: 1, 32, 256>}, {transform_indices = @transform_3, window_bounds = array<i64: 2, 1, 10240, 128>}]} {
    %eq3A = arith.constant 0 : i32
    %eq3A_0 = arith.cmpi eq, %arg0, %eq3A : i32
    %convert_element_type3A = arith.extui %eq3A_0 : i1 to i32
    %cond3A = arith.constant 0 : i32
    %cond3A_1 = arith.cmpi ne, %convert_element_type3A, %cond3A : i32
    scf.if %cond3A_1 {
      %get3A_24 = arith.constant 0 : index
      %get3A_25 = arith.constant 0 : index
      %get3A_26 = vector.load %arg1[%get3A_24, %get3A_25] : memref<10240x16xf32, #tpu.memory_space<vmem>>, vector<10240x16xf32>
      %get3A_27 = arith.constant 0 : index
      %get3A_28 = arith.constant 0 : index
      %get3A_29 = arith.constant 0 : index
      %get3A_30 = vector.load %arg2[%get3A_27, %get3A_28, %get3A_29] : memref<2x16x10240xf32, #tpu.memory_space<vmem>>, vector<2x16x10240xf32>
      %reduce_sum3A = arith.constant dense<0.000000e+00> : vector<2x10240xf32>
      %reduce_sum3A_31 = vector.multi_reduction <add>, %get3A_30, %reduce_sum3A [1] : vector<2x16x10240xf32> to vector<2x10240xf32>
      %add3A = arith.constant 1.000000e+00 : f32
      %add3A_32 = vector.broadcast %add3A : f32 to vector<2x10240xf32>
      %add3A_33 = arith.addf %reduce_sum3A_31, %add3A_32 : vector<2x10240xf32>
      %slice3A_34 = vector.extract_strided_slice %add3A_33 {offsets = [0, 0], sizes = [1, 10240], strides = [1, 1]} : vector<2x10240xf32> to vector<1x10240xf32>
      %squeeze3A = vector.shape_cast %slice3A_34 : vector<1x10240xf32> to vector<10240xf32>
      %broadcast_in_dim3A = vector.shape_cast %squeeze3A : vector<10240xf32> to vector<10240x1xf32>
      %div3A = vector.broadcast %broadcast_in_dim3A : vector<10240x1xf32> to vector<10240x16xf32>
      %div3A_35 = arith.divf %get3A_26, %div3A : vector<10240x16xf32>
      %swap3A_36 = arith.constant 0 : index
      %swap3A_37 = arith.constant 0 : index
      %swap3A_38 = vector.load %arg5[%swap3A_36, %swap3A_37] : memref<10240x32xf32, #tpu.memory_space<vmem>>, vector<10240x16xf32>
      tpu.vector_store %arg5[%swap3A_36, %swap3A_37], %div3A_35 {strides = array<i32>} : memref<10240x32xf32, #tpu.memory_space<vmem>>, vector<10240x16xf32>,
      %slice3A_39 = vector.extract_strided_slice %add3A_33 {offsets = [1, 0], sizes = [1, 10240], strides = [1, 1]} : vector<2x10240xf32> to vector<1x10240xf32>
      %squeeze3A_40 = vector.shape_cast %slice3A_39 : vector<1x10240xf32> to vector<10240xf32>
      %broadcast_in_dim3A_41 = vector.shape_cast %squeeze3A_40 : vector<10240xf32> to vector<10240x1xf32>
      %div3A_42 = vector.broadcast %broadcast_in_dim3A_41 : vector<10240x1xf32> to vector<10240x16xf32>
      %div3A_43 = arith.divf %get3A_26, %div3A_42 : vector<10240x16xf32>
      %swap3A_44 = arith.constant 0 : index
      %swap3A_45 = arith.constant 16 : index
      %swap3A_46 = vector.load %arg5[%swap3A_44, %swap3A_45] : memref<10240x32xf32, #tpu.memory_space<vmem>>, vector<10240x16xf32>
      tpu.vector_store %arg5[%swap3A_44, %swap3A_45], %div3A_43 {strides = array<i32>} : memref<10240x32xf32, #tpu.memory_space<vmem>>, vector<10240x16xf32>,
    } else {
    }
    %get3A = arith.constant 0 : index
    %get3A_2 = arith.constant 0 : index
    %get3A_3 = vector.load %arg5[%get3A, %get3A_2] : memref<10240x32xf32, #tpu.memory_space<vmem>>, vector<10240x32xf32>
    %get3A_4 = arith.constant 0 : index
    %get3A_5 = arith.constant 0 : index
    %get3A_6 = arith.constant 0 : index
    %get3A_7 = vector.load %arg3[%get3A_4, %get3A_5, %get3A_6] : memref<1x32x256xf32, #tpu.memory_space<vmem>>, vector<1x32x256xf32>
    %get3A_8 = vector.shape_cast %get3A_7 : vector<1x32x256xf32> to vector<32x256xf32>
    %dot_general3A = arith.constant dense<0.000000e+00> : vector<10240x256xf32>
    %dot_general3A_9 = tpu.matmul %get3A_3, %get3A_8, %dot_general3A {dimension_numbers = #tpu.dot_dimension_numbers<[1], [0], [0], [1], [0, 0, 1, 1], [], []>, transpose_lhs_hint = false} : vector<10240x32xf32>, vector<32x256xf32>, vector<10240x256xf32> -> vector<10240x256xf32>
    %slice3A = vector.extract_strided_slice %dot_general3A_9 {offsets = [0, 0], sizes = [10240, 128], strides = [1, 1]} : vector<10240x256xf32> to vector<10240x128xf32>
    %swap3A = arith.constant 0 : index
    %swap3A_10 = arith.constant 0 : index
    %swap3A_11 = arith.constant 0 : index
    %swap3A_12 = arith.constant 0 : index
    %swap3A_13 = vector.load %arg4[%swap3A, %swap3A_10, %swap3A_11, %swap3A_12] : memref<2x1x10240x128xf32, #tpu.memory_space<vmem>>, vector<1x1x10240x128xf32>
    %swap3A_14 = vector.shape_cast %swap3A_13 : vector<1x1x10240x128xf32> to vector<10240x128xf32>
    %swap3A_15 = vector.shape_cast %slice3A : vector<10240x128xf32> to vector<1x1x10240x128xf32>
    tpu.vector_store %arg4[%swap3A, %swap3A_10, %swap3A_11, %swap3A_12], %swap3A_15 {strides = array<i32>} : memref<2x1x10240x128xf32, #tpu.memory_space<vmem>>, vector<1x1x10240x128xf32>,
    %slice3A_16 = vector.extract_strided_slice %dot_general3A_9 {offsets = [0, 128], sizes = [10240, 128], strides = [1, 1]} : vector<10240x256xf32> to vector<10240x128xf32>
    %swap3A_17 = arith.constant 1 : index
    %swap3A_18 = arith.constant 0 : index
    %swap3A_19 = arith.constant 0 : index
    %swap3A_20 = arith.constant 0 : index
    %swap3A_21 = vector.load %arg4[%swap3A_17, %swap3A_18, %swap3A_19, %swap3A_20] : memref<2x1x10240x128xf32, #tpu.memory_space<vmem>>, vector<1x1x10240x128xf32>
    %swap3A_22 = vector.shape_cast %swap3A_21 : vector<1x1x10240x128xf32> to vector<10240x128xf32>
    %swap3A_23 = vector.shape_cast %slice3A_16 : vector<10240x128xf32> to vector<1x1x10240x128xf32>
    tpu.vector_store %arg4[%swap3A_17, %swap3A_18, %swap3A_19, %swap3A_20], %swap3A_23 {strides = array<i32>} : memref<2x1x10240x128xf32, #tpu.memory_space<vmem>>, vector<1x1x10240x128xf32>,
    return
  }
  func.func @transform_0(%arg0: i32) -> (i32, i32) {
    %c0_i32 = arith.constant 0 : i32
    %c0_i32_0 = arith.constant 0 : i32
    %c0_i32_1 = arith.constant 0 : i32
    return %c0_i32, %c0_i32_0 : i32, i32
  }
  func.func @transform_1(%arg0: i32) -> (i32, i32, i32) {
    %c0_i32 = arith.constant 0 : i32
    %c0_i32_0 = arith.constant 0 : i32
    %c0_i32_1 = arith.constant 0 : i32
    %c0_i32_2 = arith.constant 0 : i32
    return %c0_i32, %c0_i32_0, %c0_i32_1 : i32, i32, i32
  }
  func.func @transform_2(%arg0: i32) -> (i32, i32, i32) {
    %c0_i32 = arith.constant 0 : i32
    %c0_i32_0 = arith.constant 0 : i32
    %c0_i32_1 = arith.constant 0 : i32
    return %arg0, %c0_i32, %c0_i32_0 : i32, i32, i32
  }
  func.func @transform_3(%arg0: i32) -> (i32, i32, i32, i32) {
    %c0_i32 = arith.constant 0 : i32
    %c0_i32_0 = arith.constant 0 : i32
    %c0_i32_1 = arith.constant 0 : i32
    %c0_i32_2 = arith.constant 0 : i32
    return %c0_i32, %arg0, %c0_i32_0, %c0_i32_1 : i32, i32, i32, i32
  }
}

module attributes {stable_mosaic.version = 14 : i64} {
  func.func @_fin_body(%arg0: memref<10000x16xf32, #tpu.memory_space<vmem>>, %arg1: memref<16x16xf32, #tpu.memory_space<vmem>>, %arg2: memref<1x16xf32, #tpu.memory_space<vmem>>, %arg3: memref<2x10240x16xf32, #tpu.memory_space<vmem>>, %arg4: memref<10000x16xf32, #tpu.memory_space<vmem>>) attributes {dimension_semantics = [], scalar_prefetch = 0 : i64, scratch_operands = 0 : i64, tpu.core_type = #tpu.core_type<tc>} {
    %get3A = arith.constant 0 : index
    %get3A_0 = arith.constant 0 : index
    %get3A_1 = vector.load %arg0[%get3A, %get3A_0] : memref<10000x16xf32, #tpu.memory_space<vmem>>, vector<10000x16xf32>
    %get3A_2 = arith.constant 0 : index
    %get3A_3 = arith.constant 0 : index
    %get3A_4 = vector.load %arg1[%get3A_2, %get3A_3] : memref<16x16xf32, #tpu.memory_space<vmem>>, vector<16x16xf32>
    %dot_general3A = arith.constant dense<0.000000e+00> : vector<10000x16xf32>
    %dot_general3A_5 = tpu.matmul %get3A_1, %get3A_4, %dot_general3A {dimension_numbers = #tpu.dot_dimension_numbers<[1], [1], [0], [0], [0, 0, 1, 0], [], []>, transpose_lhs_hint = false} : vector<10000x16xf32>, vector<16x16xf32>, vector<10000x16xf32> -> vector<10000x16xf32>
    %get3A_6 = arith.constant 0 : index
    %get3A_7 = arith.constant 0 : index
    %get3A_8 = vector.load %arg2[%get3A_6, %get3A_7] : memref<1x16xf32, #tpu.memory_space<vmem>>, vector<1x16xf32>
    %add3A = vector.broadcast %get3A_8 : vector<1x16xf32> to vector<10000x16xf32>
    %add3A_9 = arith.addf %dot_general3A_5, %add3A : vector<10000x16xf32>
    %get3A_10 = arith.constant 0 : index
    %get3A_11 = arith.constant 0 : index
    %get3A_12 = arith.constant 0 : index
    %get3A_13 = vector.load %arg3[%get3A_10, %get3A_11, %get3A_12] : memref<2x10240x16xf32, #tpu.memory_space<vmem>>, vector<1x10000x16xf32>
    %get3A_14 = vector.shape_cast %get3A_13 : vector<1x10000x16xf32> to vector<10000x16xf32>
    %add3A_15 = arith.addf %add3A_9, %get3A_14 : vector<10000x16xf32>
    %get3A_16 = arith.constant 1 : index
    %get3A_17 = arith.constant 0 : index
    %get3A_18 = arith.constant 0 : index
    %get3A_19 = vector.load %arg3[%get3A_16, %get3A_17, %get3A_18] : memref<2x10240x16xf32, #tpu.memory_space<vmem>>, vector<1x10000x16xf32>
    %get3A_20 = vector.shape_cast %get3A_19 : vector<1x10000x16xf32> to vector<10000x16xf32>
    %add3A_21 = arith.addf %add3A_15, %get3A_20 : vector<10000x16xf32>
    %swap3A = arith.constant 0 : index
    %swap3A_22 = arith.constant 0 : index
    %swap3A_23 = vector.load %arg4[%swap3A, %swap3A_22] : memref<10000x16xf32, #tpu.memory_space<vmem>>, vector<10000x16xf32>
    tpu.vector_store %arg4[%swap3A, %swap3A_22], %add3A_21 {strides = array<i32>} : memref<10000x16xf32, #tpu.memory_space<vmem>>, vector<10000x16xf32>,
    return
  }
}

</mosaic_0001>

<sc_bundles>
// kernel: kernel.10.cloned.1.call-start
scs
__scs_entry_jumppad:
0x0: {  	(pc) =	sbr.rel $0x88, $3  }
0x1: {  	(tag) =	ssettag $0x0;
	lr =	simm.s32 $0x1  }
0x2: {  	[smem:$0x3F9A] =	sst lr;
	_ =	strace $0xD0000000  }
0x3: {  	_ = 	snop  }
0x4: {  	_ = 	snop  }
0x5: {  	_ = 	snop  }
0x6: {  	_ = 	snop  }
0x7: {  	_ = 	snop  }
__scs_overlays_trampoline_lowered:
0x8: {  	[smem:$0x3FA9] =	sst s0  }
0x9: {  	[smem:$0x3FAA] =	sst s1  }
0xa: {  	[smem:$0x3FAB] =	sst s2  }
0xb: {  	[smem:$0x3FAC] =	sst s3  }
0xc: {  	[smem:$0x3FAD] =	sst s4  }
0xd: {  	[smem:$0x3FAE] =	sst s5  }
0xe: {  	[smem:$0x3FAF] =	sst s6  }
0xf: {  	[smem:$0x3FB0] =	sst s7  }
0x10: {  	[smem:$0x3FB1] =	sst s8  }
0x11: {  	[smem:$0x3FB2] =	sst s9;
	s0 =	simm.s32 @!p0 $0x0  }
0x12: {  	s1 =	sld [smem:$0x3F98];
	s0 =	simm.s32 @p0 $0x1  }
0x13: {  	[smem:$0x3FB3] =	sst s0;
	s0 =	simm.s32 @!p1 $0x0  }
0x14: {  	s2 =	sld [smem:$0x3F97];
	s0 =	simm.s32 @p1 $0x1  }
0x15: {  	[smem:$0x3FB4] =	sst s0;
	s0 =	simm.s32 @!p2 $0x0  }
0x16: {  	s3 =	sld [smem:$0x3FDB];
	s0 =	simm.s32 @p2 $0x1  }
0x17: {  	s4 =	simm.s32 $0x1BF5;
	[smem:$0x3FB6] =	sst s0  }
0x18: {  	s0 =	sld [smem:$0x3F99];
	_ =	swait.ge [sflag:s4], $0x0  }
0x19: {  	s7 =	sld [smem:$0x3F9A]  }
0x1a: {  	s8 =	sadd.s32 $0xFFFFE003, lr  }
0x1b: {  	s9 =	sadd.s32 $0xFFFFFEF7, lr;
	s5 =	simm.s32 $0xFFFFFFFF;
	p2 =	slt.u32 s8, $0xFFFFF086  }
0x1c: {  	p1 =	slt.u32 s9, $0xF7A;
	s5 =	simm.s32 @!p2 $0x0  }
0x1d: {  	s5 =	simm.s32 @p1 $0x1;
	p0 =	seq.s32 s7, s2  }
0x1e: {  	s7 =	smul.u32 @!p0 $0xF7A, s2;
	p2 =	seq.s32 @!p0 s5, $0x0  }
0x1f: {  	s9 =	smul.u32 $0xF7A, s1;
	s8 =	simm.s32 @!p0 $0x1BF5;
	p2 =	por !p2, p0  }
0x20: {  	[sflag:s8] =	ssyncset.s32 @!p0 $0xFFFFF086;
	s6 =	sadd.s32 @!p0 s3, s7;
	s7 =	simm.s32 @!p0 $0x108  }
0x21: {  	s3 =	sadd.s32 s3, s9;
	s6 =	sadd.s32 @!p0 $0x88, s6;
	s7 =	simm.s32 @p2 $0x1082  }
0x22: {  	[simem:s7], [sflag:s8] =	dma.local @!p0 [hbm:s6], $0xF7A  }
0x23: {  	s9 =	sor.u32 $0xD0000000, s2;
	s6 =	simm.s32 $0x108;
	_ =	swait.ge @!p0 [sflag:s8], $0x0  }
0x24: {  	s3 =	sadd.s32 $0x88, s3;
	s6 =	simm.s32 @!p1 $0x1082;
	[sflag:s4] =	ssyncset.s32 $0xFFFFF086  }
0x25: {  	[simem:s6], [sflag:s4] =	dma.local [hbm:s3], $0xF7A  }
0x26: {  	[smem:$0x3F9A] =	sst s1;
	(tag) =	ssettag s2;
	_ =	strace s9  }
0x27: {  	s1 =	sld [smem:$0x3FAA]  }
0x28: {  	s2 =	sld [smem:$0x3FAB]  }
0x29: {  	s4 =	sld [smem:$0x3FAD]  }
0x2a: {  	p0 =	seq.s32 s5, $0x0;
	s5 =	sld [smem:$0x3FAE]  }
0x2b: {  	s6 =	sld [smem:$0x3FAF]  }
0x2c: {  	s7 =	sld [smem:$0x3FB0]  }
0x2d: {  	s3 =	simm.s32 $0x108;
	s8 =	sld [smem:$0x3FB1]  }
0x2e: {  	s3 =	simm.s32 @!p0 $0x1082;
	s9 =	sld [smem:$0x3FB2]  }
0x2f: {  	lr =	sadd.s32 s0, s3;
	s0 =	sld [smem:$0x3FA9]  }
0x30: {  	s3 =	sld [smem:$0x3FAC]  }
0x31: {  	[smem:$0x3FB5] =	sst s10  }
0x32: {  	s10 =	sld [smem:$0x3FB3];
	_ =	sdelay $0x3  }
0x33: {  	p0 =	seq.s32 s10, $0x1;
	s10 =	sld [smem:$0x3FB5];
	_ =	sdelay $0x3  }
0x34: {  	[smem:$0x3FB5] =	sst s10  }
0x35: {  	s10 =	sld [smem:$0x3FB4];
	_ =	sdelay $0x3  }
0x36: {  	p1 =	seq.s32 s10, $0x1;
	s10 =	sld [smem:$0x3FB5];
	_ =	sdelay $0x3  }
0x37: {  	[smem:$0x3FB5] =	sst s10  }
0x38: {  	s10 =	sld [smem:$0x3FB6]  }
0x39: {  	_ = 	snop;
	(pc) =	sbr.ind lr, $3  }
0x3a: {  	_ = 	snop  }
0x3b: {  	_ = 	snop  }
0x3c: {  	p2 =	seq.s32 s10, $0x1;
	s10 =	sld [smem:$0x3FB5]  }
0x3d: {  	_ =	shalt  }
0x3e: {  	_ =	shalt  }
0x3f: {  	_ =	shalt  }
0x40: {  	_ =	shalt  }
0x41: {  	_ =	shalt  }
0x42: {  	_ =	shalt  }
0x43: {  	_ =	shalt  }
0x44: {  	_ =	shalt  }
0x45: {  	_ =	shalt  }
0x46: {  	_ =	shalt  }
0x47: {  	_ =	shalt  }
0x48: {  	_ =	shalt  }
0x49: {  	_ =	shalt  }
0x4a: {  	_ =	shalt  }
0x4b: {  	_ =	shalt  }
0x4c: {  	_ =	shalt  }
0x4d: {  	_ =	shalt  }
0x4e: {  	_ =	shalt  }
0x4f: {  	_ =	shalt  }
0x50: {  	_ =	shalt  }
0x51: {  	_ =	shalt  }
0x52: {  	_ =	shalt  }
0x53: {  	_ =	shalt  }
0x54: {  	_ =	shalt  }
0x55: {  	_ =	shalt  }
0x56: {  	_ =	shalt  }
0x57: {  	_ =	shalt  }
0x58: {  	_ =	shalt  }
0x59: {  	_ =	shalt  }
0x5a: {  	_ =	shalt  }
0x5b: {  	_ =	shalt  }
0x5c: {  	_ =	shalt  }
0x5d: {  	_ =	shalt  }
0x5e: {  	_ =	shalt  }
0x5f: {  	_ =	shalt  }
0x60: {  	_ =	shalt  }
0x61: {  	_ =	shalt  }
0x62: {  	_ =	shalt  }
0x63: {  	_ =	shalt  }
0x64: {  	_ =	shalt  }
0x65: {  	_ =	shalt  }
0x66: {  	_ =	shalt  }
0x67: {  	_ =	shalt  }
0x68: {  	_ =	shalt  }
0x69: {  	_ =	shalt  }
0x6a: {  	_ =	shalt  }
0x6b: {  	_ =	shalt  }
0x6c: {  	_ =	shalt  }
0x6d: {  	_ =	shalt  }
0x6e: {  	_ =	shalt  }
0x6f: {  	_ =	shalt  }
0x70: {  	_ =	shalt  }
0x71: {  	_ =	shalt  }
0x72: {  	_ =	shalt  }
0x73: {  	_ =	shalt  }
0x74: {  	_ =	shalt  }
0x75: {  	_ =	shalt  }
0x76: {  	_ =	shalt  }
0x77: {  	_ =	shalt  }
0x78: {  	_ =	shalt  }
0x79: {  	_ =	shalt  }
0x7a: {  	_ =	shalt  }
0x7b: {  	_ =	shalt  }
0x7c: {  	_ =	shalt  }
0x7d: {  	_ =	shalt  }
0x7e: {  	_ =	shalt  }
0x7f: {  	_ =	shalt  }
0x80: {  	_ =	shalt  }
0x81: {  	_ =	shalt  }
0x82: {  	_ =	shalt  }
0x83: {  	_ =	shalt  }
0x84: {  	_ =	shalt  }
0x85: {  	_ =	shalt  }
0x86: {  	_ =	shalt  }
0x87: {  	_ =	shalt  }
.Lfunc_end0:
.L_simem_size_0:
called_computation.1_lowered:
.L_overlay_start_0:
0x88: {  	s2 =	sld [smem:$0x3FD9]  }
0x89: {  	s3 =	sld [smem:$0x3FFE];
	_ =	sdelay $0x1  }
0x8a: {  	s1 =	srdreg.scid  }
0x8b: {  	s0 =	sand.u32 $0x1, s1  }
0x8c: {  	s16 =	sshll.u32 s0, $0xA;
	s2 =	sadd.s32 s3, s2  }
0x8d: {  	s2 =	sadd.s32 s2, s16  }
0x8e: {  	[smem:$0x3FC1] =	sst s2  }
0x8f: {  	_ = 	snop  }
0x90: {  	(tm) =	ssettm $0x1  }
0x91: {  	s17 =	sld [smem:$0x3FFB];
	_ =	sdelay $0x3  }
0x92: {  	_ =	strace s17  }
0x93: {  	s2 =	sld [smem:$0x3FFC];
	_ =	sdelay $0x3  }
0x94: {  	_ =	strace s2  }
0x95: {  	s2 =	sld [smem:$0x3FFD];
	_ =	sdelay $0x3  }
0x96: {  	_ =	strace s2  }
0x97: {  	_ =	strace $0x8FFFFFFF  }
0x98: {  	s18 =	sld [smem:$0x3FDB];
	_ =	sdelay $0x1  }
0x99: {  	s19 =	simm.s32 $_scs_section_size  }
0x9a: {  	s4 =	simm.s32 $_size__tile_overlayer_lowered;
	s5 =	simm.s32 $_tile_overlayer_lowered  }
0x9b: {  	s22 =	simm.s32 $0x1BFF;
	s21 =	sshll.u32 s5, $0x1;
	s2 =	sadd.s32 s19, s18  }
0x9c: {  	s6 =	simm.s32 $0x0;
	s20 =	sshll.u32 s4, $0x1;
	s4 =	sadd.s32 s21, s2  }
0x9d: {  	[timem:s6], [sflag:s22] =	dma.local [hbm:s4], s20  }
0x9e: {  	_ =	swait.ge [sflag:s22], s20  }
0x9f: {  	s3 =	ssub.s32 $0x0, s20;
	[sflag:s22] =	ssyncset.done $0x0  }
0xa0: {  	[sflag:s22] =	ssyncadd.s32 s3;
	_ =	sdelay $0x1  }
0xa1: {  	s23 =	simm.s32 $0x1B8B  }
0xa2: {  	_ =	swait.ge [sflag:s23], $0x1  }
0xa3: {  	[sflag:s23] =	ssyncset.done $0x0  }
0xa4: {  	s25 =	simm.s32 $0x1B8E;
	s24 =	sld [smem:$0x3FFE];
	[sflag:s23] =	ssyncadd.s32 $0xFFFFFFFF  }
0xa5: {  	s26 =	simm.s32 $execute0_lowered;
	[smem:$0x3FD2] =	sst s25  }
0xa6: {  	s4 =	sshll.u32 s26, $0x1;
	_ =	strace $0x80000049;
	[dreg:$0x1] =	wrdreg $0xFFFFFFFF  }
0xa7: {  	s28 =	simm.s32 $_size_execute0_lowered;
	s2 =	sadd.s32 s2, s4;
	[dreg:$0x0] =	wrdreg $0x0  }
0xa8: {  	s4 =	sshll.u32 s28, $0x1;
	[dreg:$0x2] =	wrdreg s2  }
0xa9: {  	[dreg:$0x3] =	wrdreg s4  }
0xaa: {  	[dreg:$0x4] =	wrdreg $0xC0  }
0xab: {  	_ =	task [dreg:s6], $0x5FFFF  }
0xac: {  	[dreg:$0x1] =	wrdreg $0xFFFFFFFF  }
0xad: {  	[dreg:$0x0] =	wrdreg $0x60  }
0xae: {  	[dreg:$0x2] =	wrdreg s24  }
0xaf: {  	[dreg:$0x3] =	wrdreg $0xC0000  }
0xb0: {  	[dreg:$0x4] =	wrdreg $0x9  }
0xb1: {  	_ =	task.clear_ibuf [dreg:s6], $0x5FFFF;
	_ =	strace $0x90000049  }
0xb2: {  	s29 =	simm.s32 $0x9;
	_ =	strace $0x8000004B  }
0xb3: {  	_ =	swait.ge [sflag:s29], $0x1  }
0xb4: {  	[sflag:s29] =	ssyncadd.s32 $0xFFFFFFFF  }
0xb5: {  	_ =	strace $0x9000004B  }
0xb6: {  	_ =	sfence  }
0xb7: {  	s30 =	sld [smem:$0x0];
	_ =	sdelay $0x2  }
0xb8: {  	s31 =	sshll.u32 s1, $0xD;
	s1 =	sshrl.u32 s1, $0x2  }
0xb9: {  	s3 =	sand.u32 $0x4000, s31;
	s1 =	sadd.s32 s1, s30  }
0xba: {  	s0 =	sor.u32 s3, s0;
	s1 =	sshll.u32 s1, $0x11  }
0xbb: {  	s0 =	sor.u32 s1, s0  }
0xbc: {  	s0 =	sadd.s32 $0x8F2B, s0  }
0xbd: {  	[sflag:s0] =	ssyncadd.remote.s32 $0x1  }
0xbe: {  	_ =	sfence.sel $0xFFFF  }
0xbf: {  	[dreg:$0x0] =	wrdreg $0xFFFFFFFF;
	(pc) =	sbr.abs _section_cstart, $3  }
0xc0: {  	[dreg:$0x1] =	wrdreg $0xFFFFFFFF  }
0xc1: {  	_ =	task.clear_ibuf [dreg:s6], $0x2FFFF;
	_ =	strace $0x9FFFFFFF  }
0xc2: {  	(tm) =	ssettm $0x7FFFFFFF  }
0xc3: {  	_ =	shalt  }
tec
execute0_lowered:
.L_overlay_start_1:
0x0: {  	(tag) =	ssettag $0x1  }
0x1: {  	s0 =	srdreg.scid;
	s1 =	rddreg [dreg:$0x0]  }
0x2: {  	s3 =	stileid.u32;
	s2 =	rddreg [dreg:$0x1];
	s13 =	simm.s32 $0x0  }
0x3: {  	s16 =	simm.s32 $0x11;
	s25 =	simm.s32 $0x9800;
	s26 =	simm.s32 $0xA800  }
0x4: {  	s28 =	simm.s32 $0xA000;
	s29 =	simm.s32 $0x2;
	s30 =	simm.s32 $0x3  }
0x5: {  	s31 =	simm.s32 $0xB000;
	s0 =	sand.u32 $0x1, s0;
	s6 =	smul.u32 $0x2800, s3  }
0x6: {  	[smem:$0x7FF] =	sst s13;
	s5 =	smul.u32 $0xA000, s3;
	s8 =	sadd.s32 $0x1400, s1  }
0x7: {  	s4 =	smul.u32 $0x28000, s0;
	_ =	strace $0x8000004A;
	s9 =	ssub.s32 $0x2, s0  }
0x8: {  	s10 =	sxor.u32 $0x1, s0;
	s0 =	smul.u32 $0xA0000, s0;
	[dreg:$0x3] =	wrdreg s25  }
0x9: {  	[dreg:$0x4] =	wrdreg s26;
	s25 =	simm.s32 $0x9000;
	s26 =	simm.s32 $0x1  }
0xa: {  	s5 =	sshrl.u32 s5, $0x2;
	s11 =	sshrl.u32 s9, $0x1;
	s10 =	smul.u32 $0x28000, s10  }
0xb: {  	s4 =	sadd.s32 s6, s4;
	s12 =	sadd.s32 s5, s2;
	s9 =	ssub.s32 s9, s11  }
0xc: {  	s5 =	sadd.s32 s6, s2;
	s7 =	sshrl.u32 s4, $0x3;
	s4 =	sadd.s32 $0x10400, s1  }
0xd: {  	s17 =	sadd.s32 $0x800, s12;
	s18 =	sadd.s32 $0x1000, s12;
	[dreg:$0x6] =	wrdreg s5  }
0xe: {  	s19 =	sadd.s32 $0x1800, s12;
	s10 =	sadd.s32 s6, s10;
	[dreg:$0x7] =	wrdreg s17  }
0xf: {  	s20 =	sadd.s32 $0x2000, s12;
	s6 =	sshrl.u32 s6, $0x3;
	[dreg:$0x8] =	wrdreg s18  }
0x10: {  	s24 =	smax.u32 s9, $0x1;
	s1 =	sadd.s32 s7, s1;
	[dreg:$0x9] =	wrdreg s19  }
0x11: {  	[dreg:$0xa] =	wrdreg s20;
	s10 =	sshrl.u32 s10, $0x3;
	s21 =	sadd.s32 s8, s7  }
0x12: {  	s6 =	sadd.s32 s8, s6;
	[dreg:$0xf] =	wrdreg s24;
	s19 =	simm.s32 $0x80  }
0x13: {  	s20 =	simm.s32 $0x7800;
	[dreg:$0xb] =	wrdreg s21;
	s22 =	sadd.s32 s8, s10  }
0x14: {  	s17 =	simm.s32 $0x9;
	s23 =	sadd.s32 $0xA000, s6;
	[dreg:$0xc] =	wrdreg s22  }
0x15: {  	s18 =	simm.s32 $0x6;
	s1 =	sadd.s32 $0x290400, s1;
	[dreg:$0xd] =	wrdreg s23  }
0x16: {  	s24 =	simm.s32 $0x8;
	s21 =	simm.s32 $0x8000;
	[dreg:$0xe] =	wrdreg s1  }
0x17: {  	v1 =	vimm.f32 $0.0e+00;
	v0 =	vmov s0;
	s23 =	simm.s32 $0x8800;
	s1 =	simm.s32 $0x4;
	s22 =	simm.s32 $0xB  }
.LBB2_1:
0x18: {  	s0 =	simm.s32 $0x40;
	s6 =	simm.s32 $0x0  }
.LBB2_2:
0x19: {  	p0 =	sne.s32 s0, $0x1FC0;
	[tilespmem:s6+$0xB800] =	vst v1;
	s6 =	smov.u32 s0;
	s0 =	sadd.s32 $0x40, s0  }
.Ltmp0:
0x1a: {  	(pc) =	sbr.rel @p0 .LBB2_2-.Ltmp0, $2  }
0x1b: {  	_ =	sdelay $0x2  }
0x1c: {  	s6 =	sshra.s32 s6, $0x2  }
0x1d: {  	[dreg:$0x5] =	wrdreg s13;
	[tilespmem:s6+$0xB800] =	vst v1;
	s3 =	simm.s32 $0xB800  }
0x1e: {  	[spmem:s5] =	stream.linear.scatter [tilespmem:s3], [sflag:$0x11], $0x800, $0x38;
	[tilespmem:$0xE800] =	vst v63  }
0x1f: {  	_ =	swait.ge [sflag:s16], $0x800  }
0x20: {  	[sflag:s16] =	ssyncset.done $0x0  }
0x21: {  	s0 =	rddreg [dreg:$0x7];
	[sflag:s16] =	ssyncadd.s32 $0xFFFFF800  }
0x22: {  	[spmem:s0] =	stream.linear.scatter [tilespmem:s3], [sflag:$0x11], $0x800, $0x38;
	[tilespmem:$0xE800] =	vst v63  }
0x23: {  	_ =	swait.ge [sflag:s16], $0x800  }
0x24: {  	[sflag:s16] =	ssyncset.done $0x0  }
0x25: {  	s7 =	rddreg [dreg:$0x8];
	[sflag:s16] =	ssyncadd.s32 $0xFFFFF800  }
0x26: {  	[spmem:s7] =	stream.linear.scatter [tilespmem:s3], [sflag:$0x11], $0x800, $0x38;
	[tilespmem:$0xE800] =	vst v63  }
0x27: {  	_ =	swait.ge [sflag:s16], $0x800  }
0x28: {  	[sflag:s16] =	ssyncset.done $0x0  }
0x29: {  	s8 =	rddreg [dreg:$0x9];
	[sflag:s16] =	ssyncadd.s32 $0xFFFFF800  }
0x2a: {  	[spmem:s8] =	stream.linear.scatter [tilespmem:s3], [sflag:$0x11], $0x800, $0x38;
	[tilespmem:$0xE800] =	vst v63  }
0x2b: {  	_ =	swait.ge [sflag:s16], $0x800  }
0x2c: {  	[sflag:s16] =	ssyncset.done $0x0  }
0x2d: {  	s9 =	rddreg [dreg:$0xa];
	[sflag:s16] =	ssyncadd.s32 $0xFFFFF800  }
0x2e: {  	[spmem:s9] =	stream.linear.scatter [tilespmem:s3], [sflag:$0x11], $0x800, $0x38;
	[tilespmem:$0xE800] =	vst v63  }
0x2f: {  	_ =	swait.ge [sflag:s16], $0x800  }
0x30: {  	[sflag:s16] =	ssyncset.done $0x0  }
0x31: {  	[sflag:s16] =	ssyncadd.s32 $0xFFFFF800  }
0x32: {  	[bflag:$0x0] =	sbarrier.arrive $0xFFFF  }
0x33: {  	s10 =	simm.s32 $0x0;
	s11 =	rddreg [dreg:$0xb]  }
0x34: {  	[tilespmem:s10], [sflag:$0x11] =	stream.linear.gather [hbm4b:s11+s10], $0x2800, $0x38;
	[tilespmem:$0xE800] =	vst v63  }
0x35: {  	_ =	swait.ge [sflag:s16], $0x2800  }
0x36: {  	[sflag:s16] =	ssyncset.done $0x0  }
0x37: {  	s13 =	simm.s32 $0x2800;
	s12 =	rddreg [dreg:$0xc];
	[sflag:s16] =	ssyncadd.s32 $0xFFFFD800  }
0x38: {  	[tilespmem:s13], [sflag:$0x11] =	stream.linear.gather [hbm4b:s12+s10], $0x2800, $0x38;
	[tilespmem:$0xE800] =	vst v63  }
0x39: {  	_ =	swait.ge [sflag:s16], $0x2800  }
0x3a: {  	[sflag:s16] =	ssyncset.done $0x0  }
0x3b: {  	s15 =	simm.s32 $0x5000;
	s14 =	rddreg [dreg:$0xd];
	[sflag:s16] =	ssyncadd.s32 $0xFFFFD800  }
0x3c: {  	[tilespmem:s15], [sflag:$0x11] =	stream.linear.gather [hbm4b:s14+s10], $0x2800, $0x38;
	[tilespmem:$0xE800] =	vst v63  }
0x3d: {  	_ =	swait.ge [sflag:s16], $0x2800  }
0x3e: {  	[sflag:s16] =	ssyncset.done $0x0  }
0x3f: {  	s9 =	simm.s32 $0x0;
	[sflag:s16] =	ssyncadd.s32 $0xFFFFD800  }
0x40: {  	v8 =	vld [tilespmem:s9+$0x5010]  }
0x41: {  	v2 =	vld [tilespmem:s9+$0x5050]  }
0x42: {  	v6 =	vld [tilespmem:s9+$0x5000]  }
0x43: {  	v7 =	vld [tilespmem:s9+$0x5020]  }
0x44: {  	v3 =	vld [tilespmem:s9+$0x20]  }
0x45: {  	v11 =	vld [tilespmem:s9+$0x30]  }
0x46: {  	v12 =	vld [tilespmem:s9+$0x5040]  }
0x47: {  	v18 =	vld [tilespmem:s9+$0x5030]  }
0x48: {  	v19 =	vld [tilespmem:s9+$0x60]  }
0x49: {  	v9 =	vld [tilespmem:s9+$0x5070];
	v16 =	vand.u32 $0x7, v6;
	v5 =	vshrl.u32 v2, $0x3;
	v10 =	vand.u32 $0x7, v2  }
0x4a: {  	v15 =	vshrl.u32 v8, $0x3;
	v4 =	vshll.u32 v3, $0x3;
	v14 =	vshrl.u32 v7, $0x3  }
0x4b: {  	v17 =	vshrl.u32 v6, $0x3;
	v7 =	vand.u32 $0x7, v7;
	v6 =	vshll.u32 v11, $0x3  }
0x4c: {  	v25 =	vld [tilespmem:s9+$0x50];
	v11 =	vand.u32 $0x7, v12;
	v20 =	vshrl.u32 v18, $0x3;
	v23 =	vand.u32 $0x7, v8  }
0x4d: {  	v8 =	vshll.u32 v19, $0x3;
	v24 =	vand.u32 $0x7, v18;
	v3 =	vor.u32 v0, v10;
	v10 =	vld [tilespmem:s9+$0x5060]  }
0x4e: {  	v22 =	vld [tilespmem:s9+$0x0];
	v2 =	vmul.u32 $0x14000, v5;
	v5 =	vshrl.u32 v9, $0x3;
	v13 =	vor.u32 v0, v7  }
0x4f: {  	v7 =	vshrl.u32 v12, $0x3;
	v12 =	vmul.u32 $0x14000, v17;
	v17 =	vmul.u32 $0x14000, v14;
	v14 =	vld [tilespmem:s9+$0x40]  }
0x50: {  	v20 =	vmul.u32 $0x14000, v20;
	v9 =	vand.u32 $0x7, v9;
	v21 =	vmul.u32 $0x14000, v15  }
0x51: {  	v15 =	vld [tilespmem:s9+$0x10];
	v16 =	vor.u32 v0, v16;
	v24 =	vor.u32 v0, v24;
	v7 =	vmul.u32 $0x14000, v7  }
0x52: {  	s10 =	simm.s32 $0x200;
	v18 =	vadd.s32 v12, v16;
	v12 =	vshll.u32 v25, $0x3;
	v16 =	vld [tilespmem:s9+$0x70];
	v19 =	vshrl.u32 v10, $0x3  }
.LBB2_4:
0x53: {  	s11 =	sshra.s32 s10, $0x2;
	p0 =	sne.s32 s10, $0x9E00;
	s10 =	sadd.s32 $0x200, s10;
	v22 =	vshll.u32 v22, $0x3;
	v23 =	vor.u32 v0, v23;
	v10 =	vand.u32 $0x7, v10  }
0x54: {  	v13 =	vadd.s32 v17, v13;
	v17 =	vadd.s32 v20, v24;
	v14 =	vshll.u32 v14, $0x3;
	v25 =	vld [tilespmem:s11+$0x5010]  }
0x55: {  	v11 =	vor.u32 v0, v11;
	v5 =	vmul.u32 $0x14000, v5;
	v21 =	vadd.s32 v21, v23;
	v20 =	vld [tilespmem:s11+$0x5050]  }
0x56: {  	v15 =	vshll.u32 v15, $0x3;
	v4 =	vadd.s32 v4, v13;
	v10 =	vor.u32 v0, v10;
	v23 =	vld [tilespmem:s11+$0x5000]  }
0x57: {  	v2 =	vadd.s32 v2, v3;
	v3 =	vmul.u32 $0x14000, v19;
	v13 =	vld [tilespmem:s11+$0x5020];
	[tilespmem:s9+$0x20] =	vst v4;
	v4 =	vshll.u32 v16, $0x3  }
0x58: {  	v9 =	vor.u32 v0, v9;
	v18 =	vadd.s32 v22, v18;
	v6 =	vadd.s32 v6, v17;
	v16 =	vld [tilespmem:s11+$0x20]  }
0x59: {  	v3 =	vadd.s32 v3, v10;
	v5 =	vadd.s32 v5, v9;
	v19 =	vld [tilespmem:s11+$0x5070];
	[tilespmem:s9+$0x30] =	vst v6;
	v6 =	vadd.s32 v7, v11  }
0x5a: {  	v7 =	vld [tilespmem:s11+$0x30];
	v9 =	vadd.s32 v14, v6;
	v6 =	vadd.s32 v12, v2;
	v12 =	vadd.s32 v4, v5  }
0x5b: {  	v3 =	vadd.s32 v8, v3;
	v2 =	vadd.s32 v15, v21;
	v11 =	vld [tilespmem:s11+$0x5040];
	[tilespmem:s9+$0x0] =	vst v18  }
0x5c: {  	v5 =	vshrl.u32 v20, $0x3;
	v8 =	vand.u32 $0x7, v20;
	v18 =	vand.u32 $0x7, v23;
	v24 =	vld [tilespmem:s11+$0x5030];
	[tilespmem:s9+$0x10] =	vst v2  }
0x5d: {  	v21 =	vshrl.u32 v25, $0x3;
	v2 =	vmul.u32 $0x14000, v5;
	v4 =	vshll.u32 v16, $0x3;
	v10 =	vld [tilespmem:s11+$0x5060];
	[tilespmem:s9+$0x60] =	vst v3  }
0x5e: {  	v15 =	vshrl.u32 v13, $0x3;
	v3 =	vor.u32 v0, v8;
	v8 =	vld [tilespmem:s11+$0x60];
	v5 =	vshrl.u32 v19, $0x3;
	[tilespmem:s9+$0x50] =	vst v6  }
0x5f: {  	v13 =	vand.u32 $0x7, v13;
	v16 =	vshrl.u32 v23, $0x3;
	v6 =	vshll.u32 v7, $0x3;
	v26 =	vld [tilespmem:s11+$0x50];
	[tilespmem:s9+$0x40] =	vst v9  }
0x60: {  	v13 =	vor.u32 v0, v13;
	v14 =	vld [tilespmem:s11+$0x40];
	v7 =	vshrl.u32 v11, $0x3;
	v11 =	vand.u32 $0x7, v11;
	[tilespmem:s9+$0x70] =	vst v12;
	s9 =	smov.u32 s11  }
.Ltmp1:
0x61: {  	v17 =	vmul.u32 $0x14000, v15;
	v12 =	vmul.u32 $0x14000, v16;
	v22 =	vld [tilespmem:s9+$0x0];
	v9 =	vshrl.u32 v24, $0x3;
	(pc) =	sbr.rel @p0 .LBB2_4-.Ltmp1, $4  }
0x62: {  	v7 =	vmul.u32 $0x14000, v7;
	v15 =	vld [tilespmem:s9+$0x10];
	v20 =	vmul.u32 $0x14000, v9;
	v9 =	vand.u32 $0x7, v19  }
0x63: {  	v21 =	vmul.u32 $0x14000, v21;
	v23 =	vand.u32 $0x7, v25;
	v8 =	vshll.u32 v8, $0x3  }
0x64: {  	v16 =	vor.u32 v0, v18;
	v24 =	vand.u32 $0x7, v24;
	v19 =	vshrl.u32 v10, $0x3  }
0x65: {  	v18 =	vadd.s32 v12, v16;
	v24 =	vor.u32 v0, v24;
	v12 =	vshll.u32 v26, $0x3;
	v16 =	vld [tilespmem:s9+$0x70]  }
0x66: {  	v22 =	vshll.u32 v22, $0x3  }
0x67: {  	v23 =	vor.u32 v0, v23;
	v10 =	vand.u32 $0x7, v10;
	v13 =	vadd.s32 v17, v13  }
0x68: {  	v56 =	vadd.s32 v20, v24;
	v14 =	vshll.u32 v14, $0x3;
	v4 =	vadd.s32 v4, v13  }
0x69: {  	v58 =	vmul.u32 $0x14000, v19;
	v60 =	vor.u32 v0, v11;
	v6 =	vadd.s32 v6, v56;
	[tilespmem:s9+$0x20] =	vst v4  }
0x6a: {  	v2 =	vadd.s32 v2, v3;
	v57 =	vadd.s32 v21, v23;
	v59 =	vadd.s32 v22, v18;
	[tilespmem:s9+$0x30] =	vst v6  }
0x6b: {  	v15 =	vshll.u32 v15, $0x3;
	v10 =	vor.u32 v0, v10;
	v2 =	vadd.s32 v12, v2;
	[tilespmem:s9+$0x0] =	vst v59  }
0x6c: {  	v5 =	vmul.u32 $0x14000, v5;
	v4 =	vadd.s32 v58, v10;
	v61 =	vadd.s32 v15, v57;
	[tilespmem:s9+$0x50] =	vst v2  }
0x6d: {  	v62 =	vor.u32 v0, v9;
	v6 =	vadd.s32 v7, v60;
	v3 =	vadd.s32 v8, v4;
	[tilespmem:s9+$0x10] =	vst v61  }
0x6e: {  	v4 =	vadd.s32 v5, v62;
	v63 =	vadd.s32 v14, v6;
	[tilespmem:s9+$0x60] =	vst v3;
	v3 =	vshll.u32 v16, $0x3  }
0x6f: {  	[tilespmem:s9+$0x40] =	vst v63;
	v2 =	vadd.s32 v3, v4  }
0x70: {  	s0 =	simm.s32 $0x0;
	[tilespmem:s9+$0x70] =	vst v2  }
0x71: {  	[tilespmem:s20], [sflag:$0x1] =	stream.indirect.gather [hbm4b:s4+s19], $0x10, s0, s19, $0xb8;
	[tilespmem:$0xE800] =	vst v63  }
0x72: {  	_ = 	snop  }
0x73: {  	[tilespmem:s21], [sflag:$0x2] =	stream.indirect.gather [hbm4b:s4+s19], $0x10, s19, s19, $0xb8;
	[tilespmem:$0xE800] =	vst v63  }
0x74: {  	s15 =	simm.s32 $0x100;
	p0 =	por $0x1, $0x1  }
0x75: {  	[tilespmem:s23], [sflag:$0x3] =	stream.indirect.gather [hbm4b:s4+s19], $0x10, s15, s19, $0xb8;
	[tilespmem:$0xE800] =	vst v63  }
0x76: {  	s3 =	simm.s32 $0x180;
	s0 =	simm.s32 @!p0 $0xD  }
0x77: {  	[tilespmem:s25], [sflag:$0x4] =	stream.indirect.gather [hbm4b:s4+s19], $0x10, s3, s19, $0xb8;
	[tilespmem:$0xE800] =	vst v63  }
0x78: {  	_ =	swait.ge @!p0 [sflag:s0], $0x800  }
0x79: {  	[sflag:s0] =	ssyncset.done @!p0 $0x0  }
0x7a: {  	s5 =	simm.s32 $0x200;
	s6 =	rddreg [dreg:$0x3];
	[sflag:s0] =	ssyncadd.s32 @!p0 $0xFFFFF800  }
0x7b: {  	[tilespmem:s6], [sflag:$0x5] =	stream.indirect.gather [hbm4b:s4+s19], $0x10, s5, s19, $0xb8;
	[tilespmem:$0xE800] =	vst v63  }
0x7c: {  	_ =	swait.ge [sflag:s26], $0x800  }
0x7d: {  	[sflag:s26] =	ssyncset.done $0x0  }
0x7e: {  	s7 =	simm.s32 $0x2800;
	s6 =	simm.s32 @!p0 $0xE;
	[sflag:s26] =	ssyncadd.s32 $0xFFFFF800  }
0x7f: {  	[spmem:s2] =	stream.indirect.scatter.add.f32 [tilespmem:s20], [sflag:$0x9], $0x10, s7, s19, $0xb8;
	[tilespmem:$0xE800] =	vst v63  }
0x80: {  	_ =	swait.ge @!p0 [sflag:s6], $0x800  }
0x81: {  	[sflag:s6] =	ssyncset.done @!p0 $0x0  }
0x82: {  	s8 =	simm.s32 $0x280;
	[sflag:s6] =	ssyncadd.s32 @!p0 $0xFFFFF800  }
0x83: {  	[tilespmem:s28], [sflag:$0x6] =	stream.indirect.gather [hbm4b:s4+s19], $0x10, s8, s19, $0xb8;
	[tilespmem:$0xE800] =	vst v63  }
0x84: {  	_ =	swait.ge [sflag:s29], $0x800  }
0x85: {  	[sflag:s29] =	ssyncset.done $0x0  }
0x86: {  	s9 =	simm.s32 $0x2880;
	s6 =	simm.s32 @!p0 $0xF;
	[sflag:s29] =	ssyncadd.s32 $0xFFFFF800  }
0x87: {  	[spmem:s2] =	stream.indirect.scatter.add.f32 [tilespmem:s21], [sflag:$0xA], $0x10, s9, s19, $0xb8;
	[tilespmem:$0xE800] =	vst v63  }
0x88: {  	_ =	swait.ge @!p0 [sflag:s6], $0x800  }
0x89: {  	[sflag:s6] =	ssyncset.done @!p0 $0x0  }
0x8a: {  	s11 =	simm.s32 $0x300;
	s10 =	rddreg [dreg:$0x4];
	[sflag:s6] =	ssyncadd.s32 @!p0 $0xFFFFF800  }
0x8b: {  	[tilespmem:s10], [sflag:$0x7] =	stream.indirect.gather [hbm4b:s4+s19], $0x10, s11, s19, $0xb8;
	[tilespmem:$0xE800] =	vst v63  }
0x8c: {  	_ =	swait.ge [sflag:s30], $0x800  }
0x8d: {  	[sflag:s30] =	ssyncset.done $0x0  }
0x8e: {  	s12 =	simm.s32 $0x2900;
	s6 =	simm.s32 @!p0 $0x10;
	[sflag:s30] =	ssyncadd.s32 $0xFFFFF800  }
0x8f: {  	[spmem:s2] =	stream.indirect.scatter.add.f32 [tilespmem:s23], [sflag:$0xB], $0x10, s12, s19, $0xb8;
	[tilespmem:$0xE800] =	vst v63  }
0x90: {  	_ =	swait.ge @!p0 [sflag:s6], $0x800  }
0x91: {  	[sflag:s6] =	ssyncset.done @!p0 $0x0  }
0x92: {  	s13 =	simm.s32 $0x380;
	[sflag:s6] =	ssyncadd.s32 @!p0 $0xFFFFF800  }
0x93: {  	[tilespmem:s31], [sflag:$0x8] =	stream.indirect.gather [hbm4b:s4+s19], $0x10, s13, s19, $0xb8;
	[tilespmem:$0xE800] =	vst v63  }
0x94: {  	_ =	swait.ge [sflag:s1], $0x800  }
0x95: {  	[sflag:s1] =	ssyncset.done $0x0  }
0x96: {  	s14 =	simm.s32 $0x2980;
	[sflag:s1] =	ssyncadd.s32 $0xFFFFF800  }
0x97: {  	[spmem:s2] =	stream.indirect.scatter.add.f32 [tilespmem:s25], [sflag:$0xC], $0x10, s14, s19, $0xb8;
	[tilespmem:$0xE800] =	vst v63  }
0x98: {  	_ =	swait.ge [sflag:s17], $0x800  }
0x99: {  	p0 =	por $0x0, $0x0;
	[sflag:s17] =	ssyncset.done $0x0  }
0x9a: {  	s0 =	simm.s32 @p0 $0x5;
	[sflag:s17] =	ssyncadd.s32 $0xFFFFF800  }
0x9b: {  	_ =	swait.ge @p0 [sflag:s0], $0x800  }
0x9c: {  	s6 =	simm.s32 @p0 $0x2A00;
	s9 =	simm.s32 @p0 $0xA;
	[sflag:s0] =	ssyncset.done @p0 $0x0  }
0x9d: {  	s10 =	simm.s32 @p0 $0x9800;
	[sflag:s0] =	ssyncadd.s32 @p0 $0xFFFFF800;
	s0 =	simm.s32 @p0 $0x80  }
0x9e: {  	[spmem:s2] =	stream.indirect.scatter.add.f32 @p0 [tilespmem:s10], [sflag:$0xD], $0x10, s6, s0, $0xb8;
	[tilespmem:$0xE800] =	vst v63  }
0x9f: {  	_ =	swait.ge @p0 [sflag:s9], $0x800  }
0xa0: {  	s6 =	simm.s32 @!p0 $0x400;
	[sflag:s9] =	ssyncset.done @p0 $0x0  }
0xa1: {  	s10 =	simm.s32 @!p0 $0x7800;
	[sflag:s9] =	ssyncadd.s32 @p0 $0xFFFFF800;
	s9 =	simm.s32 @!p0 $0x80  }
0xa2: {  	[tilespmem:s10], [sflag:$0x1] =	stream.indirect.gather @!p0 [hbm4b:s4+s9], $0x10, s6, s9, $0xb8;
	[tilespmem:$0xE800] =	vst v63  }
0xa3: {  	s6 =	simm.s32 @!p0 $0x5  }
0xa4: {  	_ =	swait.ge @!p0 [sflag:s6], $0x800  }
0xa5: {  	[sflag:s6] =	ssyncset.done @!p0 $0x0  }
0xa6: {  	s10 =	simm.s32 @!p0 $0x2A00;
	[sflag:s6] =	ssyncadd.s32 @!p0 $0xFFFFF800;
	s6 =	simm.s32 @!p0 $0x9800  }
0xa7: {  	[spmem:s2] =	stream.indirect.scatter.add.f32 @!p0 [tilespmem:s6], [sflag:$0xD], $0x10, s10, s9, $0xb8;
	[tilespmem:$0xE800] =	vst v63  }
0xa8: {  	s6 =	simm.s32 @!p0 $0xA  }
0xa9: {  	_ =	swait.ge @!p0 [sflag:s6], $0x800  }
0xaa: {  	[sflag:s6] =	ssyncset.done @!p0 $0x0  }
0xab: {  	s10 =	simm.s32 @!p0 $0x480;
	[sflag:s6] =	ssyncadd.s32 @!p0 $0xFFFFF800;
	s6 =	simm.s32 @!p0 $0x8000  }
0xac: {  	[tilespmem:s6], [sflag:$0x2] =	stream.indirect.gather @!p0 [hbm4b:s4+s9], $0x10, s10, s9, $0xb8;
	[tilespmem:$0xE800] =	vst v63  }
0xad: {  	_ =	swait.ge [sflag:s18], $0x800  }
0xae: {  	[sflag:s18] =	ssyncset.done $0x0  }
0xaf: {  	s15 =	simm.s32 $0x2A80;
	[sflag:s18] =	ssyncadd.s32 $0xFFFFF800  }
0xb0: {  	[spmem:s2] =	stream.indirect.scatter.add.f32 [tilespmem:s28], [sflag:$0xE], $0x10, s15, s19, $0xb8;
	[tilespmem:$0xE800] =	vst v63  }
0xb1: {  	_ =	swait.ge [sflag:s22], $0x800  }
0xb2: {  	[sflag:s22] =	ssyncset.done $0x0  }
0xb3: {  	s6 =	simm.s32 @p0 $0x7;
	[sflag:s22] =	ssyncadd.s32 $0xFFFFF800  }
0xb4: {  	_ =	swait.ge @p0 [sflag:s6], $0x800  }
0xb5: {  	[sflag:s6] =	ssyncset.done @p0 $0x0  }
0xb6: {  	s10 =	simm.s32 @p0 $0x2B00;
	[sflag:s6] =	ssyncadd.s32 @p0 $0xFFFFF800;
	s6 =	simm.s32 @p0 $0xA800  }
0xb7: {  	[spmem:s2] =	stream.indirect.scatter.add.f32 @p0 [tilespmem:s6], [sflag:$0xF], $0x10, s10, s0, $0xb8;
	[tilespmem:$0xE800] =	vst v63  }
0xb8: {  	s0 =	simm.s32 @p0 $0xC  }
0xb9: {  	_ =	swait.ge @p0 [sflag:s0], $0x800  }
0xba: {  	[sflag:s0] =	ssyncset.done @p0 $0x0  }
0xbb: {  	s6 =	simm.s32 @!p0 $0x500;
	[sflag:s0] =	ssyncadd.s32 @p0 $0xFFFFF800;
	s0 =	simm.s32 @!p0 $0x8800  }
0xbc: {  	[tilespmem:s0], [sflag:$0x3] =	stream.indirect.gather @!p0 [hbm4b:s4+s9], $0x10, s6, s9, $0xb8;
	[tilespmem:$0xE800] =	vst v63  }
0xbd: {  	s0 =	simm.s32 @!p0 $0x7  }
0xbe: {  	_ =	swait.ge @!p0 [sflag:s0], $0x800  }
0xbf: {  	[sflag:s0] =	ssyncset.done @!p0 $0x0  }
0xc0: {  	s6 =	simm.s32 @!p0 $0x2B00;
	[sflag:s0] =	ssyncadd.s32 @!p0 $0xFFFFF800;
	s0 =	simm.s32 @!p0 $0xA800  }
0xc1: {  	[spmem:s2] =	stream.indirect.scatter.add.f32 @!p0 [tilespmem:s0], [sflag:$0xF], $0x10, s6, s9, $0xb8;
	[tilespmem:$0xE800] =	vst v63  }
0xc2: {  	s0 =	simm.s32 @!p0 $0xC  }
0xc3: {  	_ =	swait.ge @!p0 [sflag:s0], $0x800  }
0xc4: {  	[sflag:s0] =	ssyncset.done @!p0 $0x0  }
0xc5: {  	s6 =	simm.s32 @!p0 $0x580;
	[sflag:s0] =	ssyncadd.s32 @!p0 $0xFFFFF800;
	s0 =	simm.s32 @!p0 $0x9000  }
0xc6: {  	[tilespmem:s0], [sflag:$0x4] =	stream.indirect.gather @!p0 [hbm4b:s4+s9], $0x10, s6, s9, $0xb8;
	[tilespmem:$0xE800] =	vst v63  }
0xc7: {  	p1 =	por $0x0, $0x0;
	s10 =	simm.s32 $0x2000;
	_ =	swait.ge [sflag:s24], $0x800  }
0xc8: {  	s9 =	simm.s32 $0x1000;
	s0 =	simm.s32 $0x2B80;
	[sflag:s24] =	ssyncset.done $0x0  }
.LBB2_6:
0xc9: {  	s6 =	simm.s32 @!p1 $0xD;
	[sflag:s24] =	ssyncadd.s32 $0xFFFFF800  }
0xca: {  	[spmem:s2] =	stream.indirect.scatter.add.f32 [tilespmem:s31], [sflag:$0x10], $0x10, s0, s19, $0xb8;
	[tilespmem:$0xE800] =	vst v63  }
0xcb: {  	_ =	swait.ge @!p1 [sflag:s6], $0x800  }
0xcc: {  	s11 =	sshra.s32 s9, $0x2;
	[sflag:s6] =	ssyncset.done @!p1 $0x0  }
0xcd: {  	s13 =	sadd.s32 $0x200, s11;
	s8 =	rddreg [dreg:$0x3];
	[sflag:s6] =	ssyncadd.s32 @!p1 $0xFFFFF800  }
0xce: {  	[tilespmem:s8], [sflag:$0x5] =	stream.indirect.gather [hbm4b:s4+s19], $0x10, s13, s19, $0xb8;
	[tilespmem:$0xE800] =	vst v63  }
0xcf: {  	_ =	swait.ge [sflag:s26], $0x800  }
0xd0: {  	[sflag:s26] =	ssyncset.done $0x0  }
0xd1: {  	s14 =	sadd.s32 $0x2800, s11;
	s6 =	simm.s32 @!p1 $0xE;
	[sflag:s26] =	ssyncadd.s32 $0xFFFFF800  }
0xd2: {  	[spmem:s2] =	stream.indirect.scatter.add.f32 [tilespmem:s20], [sflag:$0x9], $0x10, s14, s19, $0xb8;
	[tilespmem:$0xE800] =	vst v63  }
0xd3: {  	_ =	swait.ge @!p1 [sflag:s6], $0x800  }
0xd4: {  	[sflag:s6] =	ssyncset.done @!p1 $0x0  }
0xd5: {  	s15 =	sadd.s32 $0x280, s11;
	[sflag:s6] =	ssyncadd.s32 @!p1 $0xFFFFF800  }
0xd6: {  	[tilespmem:s28], [sflag:$0x6] =	stream.indirect.gather [hbm4b:s4+s19], $0x10, s15, s19, $0xb8;
	[tilespmem:$0xE800] =	vst v63  }
0xd7: {  	_ =	swait.ge [sflag:s29], $0x800  }
0xd8: {  	[sflag:s29] =	ssyncset.done $0x0  }
0xd9: {  	s3 =	sadd.s32 $0x2880, s11;
	s6 =	simm.s32 @!p1 $0xF;
	[sflag:s29] =	ssyncadd.s32 $0xFFFFF800  }
0xda: {  	[spmem:s2] =	stream.indirect.scatter.add.f32 [tilespmem:s21], [sflag:$0xA], $0x10, s3, s19, $0xb8;
	[tilespmem:$0xE800] =	vst v63  }
0xdb: {  	_ =	swait.ge @!p1 [sflag:s6], $0x800  }
0xdc: {  	[sflag:s6] =	ssyncset.done @!p1 $0x0  }
0xdd: {  	s7 =	sadd.s32 $0x300, s11;
	s5 =	rddreg [dreg:$0x4];
	[sflag:s6] =	ssyncadd.s32 @!p1 $0xFFFFF800  }
0xde: {  	[tilespmem:s5], [sflag:$0x7] =	stream.indirect.gather [hbm4b:s4+s19], $0x10, s7, s19, $0xb8;
	[tilespmem:$0xE800] =	vst v63  }
0xdf: {  	_ =	swait.ge [sflag:s30], $0x800  }
0xe0: {  	[sflag:s30] =	ssyncset.done $0x0  }
0xe1: {  	s8 =	sadd.s32 $0x2900, s11;
	s6 =	simm.s32 @!p1 $0x10;
	[sflag:s30] =	ssyncadd.s32 $0xFFFFF800  }
0xe2: {  	[spmem:s2] =	stream.indirect.scatter.add.f32 [tilespmem:s23], [sflag:$0xB], $0x10, s8, s19, $0xb8;
	[tilespmem:$0xE800] =	vst v63  }
0xe3: {  	_ =	swait.ge @!p1 [sflag:s6], $0x800  }
0xe4: {  	[sflag:s6] =	ssyncset.done @!p1 $0x0  }
0xe5: {  	s13 =	sadd.s32 $0x380, s11;
	[sflag:s6] =	ssyncadd.s32 @!p1 $0xFFFFF800  }
0xe6: {  	[tilespmem:s31], [sflag:$0x8] =	stream.indirect.gather [hbm4b:s4+s19], $0x10, s13, s19, $0xb8;
	[tilespmem:$0xE800] =	vst v63  }
0xe7: {  	_ =	swait.ge [sflag:s1], $0x800  }
0xe8: {  	[sflag:s1] =	ssyncset.done $0x0  }
0xe9: {  	s14 =	sadd.s32 $0x2980, s11;
	[sflag:s1] =	ssyncadd.s32 $0xFFFFF800  }
0xea: {  	[spmem:s2] =	stream.indirect.scatter.add.f32 [tilespmem:s25], [sflag:$0xC], $0x10, s14, s19, $0xb8;
	[tilespmem:$0xE800] =	vst v63  }
0xeb: {  	_ =	swait.ge [sflag:s17], $0x800  }
0xec: {  	s12 =	smov.u32 s10;
	p1 =	seq.s32 s9, $0x9000;
	[sflag:s17] =	ssyncset.done $0x0  }
0xed: {  	s0 =	simm.s32 @p1 $0x5;
	s6 =	sshra.s32 @p1 s9, $0x2;
	[sflag:s17] =	ssyncadd.s32 $0xFFFFF800  }
0xee: {  	s9 =	sshra.s32 @!p1 s9, $0x2;
	s8 =	simm.s32 @p1 $0x9800;
	_ =	swait.ge @p1 [sflag:s0], $0x800  }
0xef: {  	s15 =	simm.s32 @!p1 $0x5;
	s13 =	sadd.s32 @p1 $0x2A00, s6;
	[sflag:s0] =	ssyncset.done @p1 $0x0  }
0xf0: {  	s14 =	simm.s32 @p1 $0xA;
	[sflag:s0] =	ssyncadd.s32 @p1 $0xFFFFF800;
	s0 =	simm.s32 @p1 $0x80  }
0xf1: {  	[spmem:s2] =	stream.indirect.scatter.add.f32 @p1 [tilespmem:s8], [sflag:$0xD], $0x10, s13, s0, $0xb8;
	[tilespmem:$0xE800] =	vst v63  }
0xf2: {  	s7 =	sadd.s32 @!p1 $0x400, s9;
	s5 =	sadd.s32 @!p1 $0x480, s9;
	_ =	swait.ge @p1 [sflag:s14], $0x800  }
0xf3: {  	s3 =	sadd.s32 @p1 $0x2B00, s6;
	s6 =	simm.s32 @!p1 $0x7800;
	[sflag:s14] =	ssyncset.done @p1 $0x0  }
0xf4: {  	s8 =	sadd.s32 @!p1 $0x2A00, s9;
	s13 =	simm.s32 @!p1 $0x80;
	[sflag:s14] =	ssyncadd.s32 @p1 $0xFFFFF800  }
0xf5: {  	[tilespmem:s6], [sflag:$0x1] =	stream.indirect.gather @!p1 [hbm4b:s4+s13], $0x10, s7, s13, $0xb8;
	[tilespmem:$0xE800] =	vst v63  }
0xf6: {  	s14 =	sadd.s32 @!p1 $0x580, s9;
	s7 =	sadd.s32 @!p1 $0x500, s9;
	_ =	swait.ge @!p1 [sflag:s15], $0x800  }
0xf7: {  	s6 =	sadd.s32 @!p1 $0x2B00, s9;
	s9 =	smov.u32 s12;
	[sflag:s15] =	ssyncset.done @!p1 $0x0  }
0xf8: {  	s12 =	simm.s32 @!p1 $0x9800;
	[sflag:s15] =	ssyncadd.s32 @!p1 $0xFFFFF800;
	s15 =	simm.s32 @!p1 $0xA  }
0xf9: {  	[spmem:s2] =	stream.indirect.scatter.add.f32 @!p1 [tilespmem:s12], [sflag:$0xD], $0x10, s8, s13, $0xb8;
	[tilespmem:$0xE800] =	vst v63  }
0xfa: {  	_ =	swait.ge @!p1 [sflag:s15], $0x800  }
0xfb: {  	[sflag:s15] =	ssyncset.done @!p1 $0x0  }
0xfc: {  	s8 =	simm.s32 @!p1 $0x8000;
	[sflag:s15] =	ssyncadd.s32 @!p1 $0xFFFFF800  }
0xfd: {  	[tilespmem:s8], [sflag:$0x2] =	stream.indirect.gather @!p1 [hbm4b:s4+s13], $0x10, s5, s13, $0xb8;
	[tilespmem:$0xE800] =	vst v63  }
0xfe: {  	_ =	swait.ge [sflag:s18], $0x800  }
0xff: {  	[sflag:s18] =	ssyncset.done $0x0  }
0x100: {  	s15 =	sadd.s32 $0x2A80, s11;
	[sflag:s18] =	ssyncadd.s32 $0xFFFFF800  }
0x101: {  	[spmem:s2] =	stream.indirect.scatter.add.f32 [tilespmem:s28], [sflag:$0xE], $0x10, s15, s19, $0xb8;
	[tilespmem:$0xE800] =	vst v63  }
0x102: {  	_ =	swait.ge [sflag:s22], $0x800  }
0x103: {  	[sflag:s22] =	ssyncset.done $0x0  }
0x104: {  	s5 =	simm.s32 @p1 $0x7;
	[sflag:s22] =	ssyncadd.s32 $0xFFFFF800  }
0x105: {  	_ =	swait.ge @p1 [sflag:s5], $0x800  }
0x106: {  	[sflag:s5] =	ssyncset.done @p1 $0x0  }
0x107: {  	s8 =	simm.s32 @p1 $0xC;
	[sflag:s5] =	ssyncadd.s32 @p1 $0xFFFFF800;
	s5 =	simm.s32 @p1 $0xA800  }
0x108: {  	[spmem:s2] =	stream.indirect.scatter.add.f32 @p1 [tilespmem:s5], [sflag:$0xF], $0x10, s3, s0, $0xb8;
	[tilespmem:$0xE800] =	vst v63  }
0x109: {  	_ =	swait.ge @p1 [sflag:s8], $0x800  }
0x10a: {  	[sflag:s8] =	ssyncset.done @p1 $0x0  }
0x10b: {  	s0 =	simm.s32 @!p1 $0x8800;
	s3 =	simm.s32 @!p1 $0x7;
	[sflag:s8] =	ssyncadd.s32 @p1 $0xFFFFF800  }
0x10c: {  	[tilespmem:s0], [sflag:$0x3] =	stream.indirect.gather @!p1 [hbm4b:s4+s13], $0x10, s7, s13, $0xb8;
	[tilespmem:$0xE800] =	vst v63  }
0x10d: {  	_ =	swait.ge @!p1 [sflag:s3], $0x800  }
0x10e: {  	s10 =	sadd.s32 $0x1000, s10;
	[sflag:s3] =	ssyncset.done @!p1 $0x0  }
0x10f: {  	s0 =	simm.s32 @!p1 $0xA800;
	[sflag:s3] =	ssyncadd.s32 @!p1 $0xFFFFF800;
	s3 =	simm.s32 @!p1 $0xC  }
0x110: {  	[spmem:s2] =	stream.indirect.scatter.add.f32 @!p1 [tilespmem:s0], [sflag:$0xF], $0x10, s6, s13, $0xb8;
	[tilespmem:$0xE800] =	vst v63  }
0x111: {  	p0 =	sne.s32 s10, $0xA000;
	_ =	swait.ge @!p1 [sflag:s3], $0x800  }
.Ltmp2:
0x112: {  	[sflag:s3] =	ssyncset.done @!p1 $0x0;
	(pc) =	sbr.rel @p0 .LBB2_6-.Ltmp2, $4  }
0x113: {  	s0 =	simm.s32 @!p1 $0x9000;
	[sflag:s3] =	ssyncadd.s32 @!p1 $0xFFFFF800  }
0x114: {  	[tilespmem:s0], [sflag:$0x4] =	stream.indirect.gather @!p1 [hbm4b:s4+s13], $0x10, s14, s13, $0xb8;
	[tilespmem:$0xE800] =	vst v63  }
0x115: {  	_ =	swait.ge [sflag:s24], $0x800  }
0x116: {  	p1 =	seq.s32 s9, $0x0;
	s0 =	sadd.s32 $0x2B80, s11;
	[sflag:s24] =	ssyncset.done $0x0  }
0x117: {  	s3 =	simm.s32 @!p1 $0xD;
	[sflag:s24] =	ssyncadd.s32 $0xFFFFF800  }
0x118: {  	[spmem:s2] =	stream.indirect.scatter.add.f32 [tilespmem:s31], [sflag:$0x10], $0x10, s0, s19, $0xb8;
	[tilespmem:$0xE800] =	vst v63  }
0x119: {  	_ =	swait.ge @!p1 [sflag:s3], $0x800  }
0x11a: {  	s10 =	sshra.s32 s9, $0x2;
	[sflag:s3] =	ssyncset.done @!p1 $0x0  }
0x11b: {  	s15 =	sadd.s32 $0x200, s10;
	s14 =	rddreg [dreg:$0x3];
	[sflag:s3] =	ssyncadd.s32 @!p1 $0xFFFFF800  }
0x11c: {  	[tilespmem:s14], [sflag:$0x5] =	stream.indirect.gather [hbm4b:s4+s19], $0x10, s15, s19, $0xb8;
	[tilespmem:$0xE800] =	vst v63  }
0x11d: {  	_ =	swait.ge [sflag:s26], $0x800  }
0x11e: {  	[sflag:s26] =	ssyncset.done $0x0  }
0x11f: {  	s5 =	sadd.s32 $0x2800, s10;
	s3 =	simm.s32 @!p1 $0xE;
	[sflag:s26] =	ssyncadd.s32 $0xFFFFF800  }
0x120: {  	[spmem:s2] =	stream.indirect.scatter.add.f32 [tilespmem:s20], [sflag:$0x9], $0x10, s5, s19, $0xb8;
	[tilespmem:$0xE800] =	vst v63  }
0x121: {  	_ =	swait.ge @!p1 [sflag:s3], $0x800  }
0x122: {  	[sflag:s3] =	ssyncset.done @!p1 $0x0  }
0x123: {  	s6 =	sadd.s32 $0x280, s10;
	[sflag:s3] =	ssyncadd.s32 @!p1 $0xFFFFF800  }
0x124: {  	[tilespmem:s28], [sflag:$0x6] =	stream.indirect.gather [hbm4b:s4+s19], $0x10, s6, s19, $0xb8;
	[tilespmem:$0xE800] =	vst v63  }
0x125: {  	_ =	swait.ge [sflag:s29], $0x800  }
0x126: {  	[sflag:s29] =	ssyncset.done $0x0  }
0x127: {  	s7 =	sadd.s32 $0x2880, s10;
	s3 =	simm.s32 @!p1 $0xF;
	[sflag:s29] =	ssyncadd.s32 $0xFFFFF800  }
0x128: {  	[spmem:s2] =	stream.indirect.scatter.add.f32 [tilespmem:s21], [sflag:$0xA], $0x10, s7, s19, $0xb8;
	[tilespmem:$0xE800] =	vst v63  }
0x129: {  	_ =	swait.ge @!p1 [sflag:s3], $0x800  }
0x12a: {  	[sflag:s3] =	ssyncset.done @!p1 $0x0  }
0x12b: {  	s11 =	sadd.s32 $0x300, s10;
	s8 =	rddreg [dreg:$0x4];
	[sflag:s3] =	ssyncadd.s32 @!p1 $0xFFFFF800  }
0x12c: {  	[tilespmem:s8], [sflag:$0x7] =	stream.indirect.gather [hbm4b:s4+s19], $0x10, s11, s19, $0xb8;
	[tilespmem:$0xE800] =	vst v63  }
0x12d: {  	_ =	swait.ge [sflag:s30], $0x800  }
0x12e: {  	[sflag:s30] =	ssyncset.done $0x0  }
0x12f: {  	s12 =	sadd.s32 $0x2900, s10;
	s3 =	simm.s32 @!p1 $0x10;
	[sflag:s30] =	ssyncadd.s32 $0xFFFFF800  }
0x130: {  	[spmem:s2] =	stream.indirect.scatter.add.f32 [tilespmem:s23], [sflag:$0xB], $0x10, s12, s19, $0xb8;
	[tilespmem:$0xE800] =	vst v63  }
0x131: {  	_ =	swait.ge @!p1 [sflag:s3], $0x800  }
0x132: {  	[sflag:s3] =	ssyncset.done @!p1 $0x0  }
0x133: {  	s13 =	sadd.s32 $0x380, s10;
	[sflag:s3] =	ssyncadd.s32 @!p1 $0xFFFFF800  }
0x134: {  	[tilespmem:s31], [sflag:$0x8] =	stream.indirect.gather [hbm4b:s4+s19], $0x10, s13, s19, $0xb8;
	[tilespmem:$0xE800] =	vst v63  }
0x135: {  	_ =	swait.ge [sflag:s1], $0x800  }
0x136: {  	[sflag:s1] =	ssyncset.done $0x0  }
0x137: {  	s14 =	sadd.s32 $0x2980, s10;
	[sflag:s1] =	ssyncadd.s32 $0xFFFFF800  }
0x138: {  	[spmem:s2] =	stream.indirect.scatter.add.f32 [tilespmem:s25], [sflag:$0xC], $0x10, s14, s19, $0xb8;
	[tilespmem:$0xE800] =	vst v63  }
0x139: {  	_ =	swait.ge [sflag:s17], $0x800  }
0x13a: {  	p0 =	seq.s32 s9, $0x9000;
	[sflag:s17] =	ssyncset.done $0x0  }
0x13b: {  	s0 =	simm.s32 @p0 $0x5;
	[sflag:s17] =	ssyncadd.s32 $0xFFFFF800  }
0x13c: {  	s6 =	simm.s32 @p0 $0xA;
	_ =	swait.ge @p0 [sflag:s0], $0x800  }
0x13d: {  	s7 =	simm.s32 @p0 $0x9800;
	s3 =	sshra.s32 @p0 s9, $0x2;
	[sflag:s0] =	ssyncset.done @p0 $0x0  }
0x13e: {  	s5 =	sadd.s32 @p0 $0x2A00, s3;
	[sflag:s0] =	ssyncadd.s32 @p0 $0xFFFFF800;
	s0 =	simm.s32 @p0 $0x80  }
0x13f: {  	[spmem:s2] =	stream.indirect.scatter.add.f32 @p0 [tilespmem:s7], [sflag:$0xD], $0x10, s5, s0, $0xb8;
	[tilespmem:$0xE800] =	vst v63  }
0x140: {  	_ =	swait.ge @p0 [sflag:s6], $0x800  }
0x141: {  	s8 =	simm.s32 @!p0 $0x7800;
	s5 =	sshra.s32 @!p0 s9, $0x2;
	[sflag:s6] =	ssyncset.done @p0 $0x0  }
0x142: {  	s7 =	sadd.s32 @!p0 $0x400, s5;
	[sflag:s6] =	ssyncadd.s32 @p0 $0xFFFFF800;
	s6 =	simm.s32 @!p0 $0x80  }
0x143: {  	[tilespmem:s8], [sflag:$0x1] =	stream.indirect.gather @!p0 [hbm4b:s4+s6], $0x10, s7, s6, $0xb8;
	[tilespmem:$0xE800] =	vst v63  }
0x144: {  	s7 =	simm.s32 @!p0 $0x5  }
0x145: {  	_ =	swait.ge @!p0 [sflag:s7], $0x800  }
0x146: {  	[sflag:s7] =	ssyncset.done @!p0 $0x0  }
0x147: {  	s8 =	sadd.s32 @!p0 $0x2A00, s5;
	[sflag:s7] =	ssyncadd.s32 @!p0 $0xFFFFF800;
	s7 =	simm.s32 @!p0 $0x9800  }
0x148: {  	[spmem:s2] =	stream.indirect.scatter.add.f32 @!p0 [tilespmem:s7], [sflag:$0xD], $0x10, s8, s6, $0xb8;
	[tilespmem:$0xE800] =	vst v63  }
0x149: {  	s7 =	simm.s32 @!p0 $0xA  }
0x14a: {  	_ =	swait.ge @!p0 [sflag:s7], $0x800  }
0x14b: {  	[sflag:s7] =	ssyncset.done @!p0 $0x0  }
0x14c: {  	s8 =	sadd.s32 @!p0 $0x480, s5;
	[sflag:s7] =	ssyncadd.s32 @!p0 $0xFFFFF800;
	s7 =	simm.s32 @!p0 $0x8000  }
0x14d: {  	[tilespmem:s7], [sflag:$0x2] =	stream.indirect.gather @!p0 [hbm4b:s4+s6], $0x10, s8, s6, $0xb8;
	[tilespmem:$0xE800] =	vst v63  }
0x14e: {  	_ =	swait.ge [sflag:s18], $0x800  }
0x14f: {  	[sflag:s18] =	ssyncset.done $0x0  }
0x150: {  	s15 =	sadd.s32 $0x2A80, s10;
	[sflag:s18] =	ssyncadd.s32 $0xFFFFF800  }
0x151: {  	[spmem:s2] =	stream.indirect.scatter.add.f32 [tilespmem:s28], [sflag:$0xE], $0x10, s15, s19, $0xb8;
	[tilespmem:$0xE800] =	vst v63  }
0x152: {  	_ =	swait.ge [sflag:s22], $0x800  }
0x153: {  	[sflag:s22] =	ssyncset.done $0x0  }
0x154: {  	s7 =	simm.s32 @p0 $0x7;
	[sflag:s22] =	ssyncadd.s32 $0xFFFFF800  }
0x155: {  	_ =	swait.ge @p0 [sflag:s7], $0x800  }
0x156: {  	[sflag:s7] =	ssyncset.done @p0 $0x0  }
0x157: {  	s3 =	sadd.s32 @p0 $0x2B00, s3;
	[sflag:s7] =	ssyncadd.s32 @p0 $0xFFFFF800;
	s7 =	simm.s32 @p0 $0xA800  }
0x158: {  	[spmem:s2] =	stream.indirect.scatter.add.f32 @p0 [tilespmem:s7], [sflag:$0xF], $0x10, s3, s0, $0xb8;
	[tilespmem:$0xE800] =	vst v63  }
0x159: {  	s0 =	simm.s32 @p0 $0xC  }
0x15a: {  	_ =	swait.ge @p0 [sflag:s0], $0x800  }
0x15b: {  	[sflag:s0] =	ssyncset.done @p0 $0x0  }
0x15c: {  	s3 =	sadd.s32 @!p0 $0x500, s5;
	[sflag:s0] =	ssyncadd.s32 @p0 $0xFFFFF800;
	s0 =	simm.s32 @!p0 $0x8800  }
0x15d: {  	[tilespmem:s0], [sflag:$0x3] =	stream.indirect.gather @!p0 [hbm4b:s4+s6], $0x10, s3, s6, $0xb8;
	[tilespmem:$0xE800] =	vst v63  }
0x15e: {  	s0 =	simm.s32 @!p0 $0x7  }
0x15f: {  	_ =	swait.ge @!p0 [sflag:s0], $0x800  }
0x160: {  	[sflag:s0] =	ssyncset.done @!p0 $0x0  }
0x161: {  	s3 =	sadd.s32 @!p0 $0x2B00, s5;
	[sflag:s0] =	ssyncadd.s32 @!p0 $0xFFFFF800;
	s0 =	simm.s32 @!p0 $0xA800  }
0x162: {  	[spmem:s2] =	stream.indirect.scatter.add.f32 @!p0 [tilespmem:s0], [sflag:$0xF], $0x10, s3, s6, $0xb8;
	[tilespmem:$0xE800] =	vst v63  }
0x163: {  	s0 =	simm.s32 @!p0 $0xC  }
0x164: {  	_ =	swait.ge @!p0 [sflag:s0], $0x800  }
0x165: {  	[sflag:s0] =	ssyncset.done @!p0 $0x0  }
0x166: {  	s3 =	sadd.s32 @!p0 $0x580, s5;
	[sflag:s0] =	ssyncadd.s32 @!p0 $0xFFFFF800;
	s0 =	simm.s32 @!p0 $0x9000  }
0x167: {  	[tilespmem:s0], [sflag:$0x4] =	stream.indirect.gather @!p0 [hbm4b:s4+s6], $0x10, s3, s6, $0xb8;
	[tilespmem:$0xE800] =	vst v63  }
0x168: {  	_ =	swait.ge [sflag:s24], $0x800  }
0x169: {  	[sflag:s24] =	ssyncset.done $0x0  }
0x16a: {  	s8 =	simm.s32 $0xD;
	s7 =	sadd.s32 $0x2B80, s10;
	[sflag:s24] =	ssyncadd.s32 $0xFFFFF800  }
0x16b: {  	[spmem:s2] =	stream.indirect.scatter.add.f32 [tilespmem:s31], [sflag:$0x10], $0x10, s7, s19, $0xb8;
	[tilespmem:$0xE800] =	vst v63  }
0x16c: {  	_ =	swait.ge [sflag:s8], $0x800  }
0x16d: {  	[sflag:s8] =	ssyncset.done $0x0  }
0x16e: {  	s9 =	simm.s32 $0xE;
	[sflag:s8] =	ssyncadd.s32 $0xFFFFF800  }
0x16f: {  	_ =	swait.ge [sflag:s9], $0x800  }
0x170: {  	[sflag:s9] =	ssyncset.done $0x0  }
0x171: {  	s10 =	simm.s32 $0xF;
	[sflag:s9] =	ssyncadd.s32 $0xFFFFF800  }
0x172: {  	_ =	swait.ge [sflag:s10], $0x800  }
0x173: {  	[sflag:s10] =	ssyncset.done $0x0  }
0x174: {  	s11 =	simm.s32 $0x10;
	[sflag:s10] =	ssyncadd.s32 $0xFFFFF800  }
0x175: {  	_ =	swait.ge [sflag:s11], $0x800  }
0x176: {  	[sflag:s11] =	ssyncset.done $0x0  }
0x177: {  	[sflag:s11] =	ssyncadd.s32 $0xFFFFF800  }
0x178: {  	s12 =	stileid.u32;
	[bflag:$0x0] =	sbarrier.arrive $0xFFFF  }
0x179: {  	s0 =	sshll.u32 s12, $0x6;
	s5 =	rddreg [dreg:$0x6]  }
0x17a: {  	s0 =	sor.u32 $0x1C11, s0;
	s14 =	rddreg [dreg:$0xe];
	s13 =	sshrl.u32 s5, $0x3  }
0x17b: {  	[hbm:s14], [sflag:s0] =	dma.local [spmem:s13], $0x500  }
0x17c: {  	_ =	swait.ge [sflag:s16], $0x500  }
0x17d: {  	s13 =	rddreg [dreg:$0x5]  }
0x17e: {  	s15 =	rddreg [dreg:$0xf];
	s13 =	sadd.s32 $0x1, s13  }
0x17f: {  	p0 =	sne.s32 s13, s15  }
.Ltmp3:
0x180: {  	_ = 	snop;
	(pc) =	sbr.rel @p0 .LBB2_1-.Ltmp3, $3  }
0x181: {  	_ =	sdelay $0x1  }
0x182: {  	[sflag:s16] =	ssyncset.done $0x0  }
0x183: {  	[sflag:s16] =	ssyncadd.s32 $0xFFFFFB00  }
0x184: {  	_ =	sfence.sel $0x180000  }
0x185: {  	[bflag:$0x0] =	sbarrier.arrive $0xFFFF  }
0x186: {  	_ =	strace $0x9000004A  }
0x187: {  	s0 =	stileid.u32;
	[bflag:$0x2] =	sbarrier.arrive $0xFFFF  }
0x188: {  	p0 =	sne.s32 s0, $0x0;
	s0 =	rddreg [dreg:$0x2]  }
0x189: {  	s0 =	sadd.s32 @!p0 $0x100000, s0  }
0x18a: {  	[sflag:s0] =	ssyncadd.tile.s32 @!p0 $0x1;
	_ =	shalt  }
.Lfunc_end2:
_tile_overlayer_lowered:
.L_overlay_start_2:
0x18b: {  	(tag) =	ssettag $0x2  }
0x18c: {  	s0 =	rddreg [dreg:$0x0];
	s2 =	stileid.u32  }
0x18d: {  	s1 =	rddreg [dreg:$0x1];
	p0 =	sne.s32 s2, $0x0  }
0x18e: {  	s3 =	rddreg [dreg:$0x2];
	[bflag:$0x3] =	sbarrier.arrive $0xFFFF;
	s2 =	simm.s32 @!p0 $0x1C11  }
0x18f: {  	[timem:s3], [sflag:s2] =	dma.local @!p0 [hbm:s0], s1  }
0x190: {  	s0 =	simm.s32 @!p0 $0x11  }
0x191: {  	_ =	swait.ge @!p0 [sflag:s0], s1  }
0x192: {  	s1 =	ssub.s32 @!p0 $0x0, s1;
	[sflag:s0] =	ssyncset.done @!p0 $0x0  }
0x193: {  	[sflag:s0] =	ssyncadd.s32 @!p0 s1  }
0x194: {  	[bflag:$0x3] =	sbarrier.arrive $0xFFFF  }
0x195: {  	_ =	shalt  }

// kernel: kernel.7.cloned.1.call-start
scs
__scs_entry_jumppad:
0x0: {  	(pc) =	sbr.rel $0x88, $3  }
0x1: {  	(tag) =	ssettag $0x0;
	lr =	simm.s32 $0x1  }
0x2: {  	[smem:$0x3F9A] =	sst lr;
	_ =	strace $0xD0000000  }
0x3: {  	_ = 	snop  }
0x4: {  	_ = 	snop  }
0x5: {  	_ = 	snop  }
0x6: {  	_ = 	snop  }
0x7: {  	_ = 	snop  }
__scs_overlays_trampoline_lowered:
0x8: {  	[smem:$0x3FA9] =	sst s0  }
0x9: {  	[smem:$0x3FAA] =	sst s1  }
0xa: {  	[smem:$0x3FAB] =	sst s2  }
0xb: {  	[smem:$0x3FAC] =	sst s3  }
0xc: {  	[smem:$0x3FAD] =	sst s4  }
0xd: {  	[smem:$0x3FAE] =	sst s5  }
0xe: {  	[smem:$0x3FAF] =	sst s6  }
0xf: {  	[smem:$0x3FB0] =	sst s7  }
0x10: {  	[smem:$0x3FB1] =	sst s8  }
0x11: {  	[smem:$0x3FB2] =	sst s9;
	s0 =	simm.s32 @!p0 $0x0  }
0x12: {  	s1 =	sld [smem:$0x3F98];
	s0 =	simm.s32 @p0 $0x1  }
0x13: {  	[smem:$0x3FB3] =	sst s0;
	s0 =	simm.s32 @!p1 $0x0  }
0x14: {  	s2 =	sld [smem:$0x3F97];
	s0 =	simm.s32 @p1 $0x1  }
0x15: {  	[smem:$0x3FB4] =	sst s0;
	s0 =	simm.s32 @!p2 $0x0  }
0x16: {  	s3 =	sld [smem:$0x3FDB];
	s0 =	simm.s32 @p2 $0x1  }
0x17: {  	s4 =	simm.s32 $0x1BF5;
	[smem:$0x3FB6] =	sst s0  }
0x18: {  	s0 =	sld [smem:$0x3F99];
	_ =	swait.ge [sflag:s4], $0x0  }
0x19: {  	s7 =	sld [smem:$0x3F9A]  }
0x1a: {  	s8 =	sadd.s32 $0xFFFFE003, lr  }
0x1b: {  	s9 =	sadd.s32 $0xFFFFFEF7, lr;
	s5 =	simm.s32 $0xFFFFFFFF;
	p2 =	slt.u32 s8, $0xFFFFF086  }
0x1c: {  	p1 =	slt.u32 s9, $0xF7A;
	s5 =	simm.s32 @!p2 $0x0  }
0x1d: {  	s5 =	simm.s32 @p1 $0x1;
	p0 =	seq.s32 s7, s2  }
0x1e: {  	s7 =	smul.u32 @!p0 $0xF7A, s2;
	p2 =	seq.s32 @!p0 s5, $0x0  }
0x1f: {  	s9 =	smul.u32 $0xF7A, s1;
	s8 =	simm.s32 @!p0 $0x1BF5;
	p2 =	por !p2, p0  }
0x20: {  	[sflag:s8] =	ssyncset.s32 @!p0 $0xFFFFF086;
	s6 =	sadd.s32 @!p0 s3, s7;
	s7 =	simm.s32 @!p0 $0x108  }
0x21: {  	s3 =	sadd.s32 s3, s9;
	s6 =	sadd.s32 @!p0 $0x88, s6;
	s7 =	simm.s32 @p2 $0x1082  }
0x22: {  	[simem:s7], [sflag:s8] =	dma.local @!p0 [hbm:s6], $0xF7A  }
0x23: {  	s9 =	sor.u32 $0xD0000000, s2;
	s6 =	simm.s32 $0x108;
	_ =	swait.ge @!p0 [sflag:s8], $0x0  }
0x24: {  	s3 =	sadd.s32 $0x88, s3;
	s6 =	simm.s32 @!p1 $0x1082;
	[sflag:s4] =	ssyncset.s32 $0xFFFFF086  }
0x25: {  	[simem:s6], [sflag:s4] =	dma.local [hbm:s3], $0xF7A  }
0x26: {  	[smem:$0x3F9A] =	sst s1;
	(tag) =	ssettag s2;
	_ =	strace s9  }
0x27: {  	s1 =	sld [smem:$0x3FAA]  }
0x28: {  	s2 =	sld [smem:$0x3FAB]  }
0x29: {  	s4 =	sld [smem:$0x3FAD]  }
0x2a: {  	p0 =	seq.s32 s5, $0x0;
	s5 =	sld [smem:$0x3FAE]  }
0x2b: {  	s6 =	sld [smem:$0x3FAF]  }
0x2c: {  	s7 =	sld [smem:$0x3FB0]  }
0x2d: {  	s3 =	simm.s32 $0x108;
	s8 =	sld [smem:$0x3FB1]  }
0x2e: {  	s3 =	simm.s32 @!p0 $0x1082;
	s9 =	sld [smem:$0x3FB2]  }
0x2f: {  	lr =	sadd.s32 s0, s3;
	s0 =	sld [smem:$0x3FA9]  }
0x30: {  	s3 =	sld [smem:$0x3FAC]  }
0x31: {  	[smem:$0x3FB5] =	sst s10  }
0x32: {  	s10 =	sld [smem:$0x3FB3];
	_ =	sdelay $0x3  }
0x33: {  	p0 =	seq.s32 s10, $0x1;
	s10 =	sld [smem:$0x3FB5];
	_ =	sdelay $0x3  }
0x34: {  	[smem:$0x3FB5] =	sst s10  }
0x35: {  	s10 =	sld [smem:$0x3FB4];
	_ =	sdelay $0x3  }
0x36: {  	p1 =	seq.s32 s10, $0x1;
	s10 =	sld [smem:$0x3FB5];
	_ =	sdelay $0x3  }
0x37: {  	[smem:$0x3FB5] =	sst s10  }
0x38: {  	s10 =	sld [smem:$0x3FB6]  }
0x39: {  	_ = 	snop;
	(pc) =	sbr.ind lr, $3  }
0x3a: {  	_ = 	snop  }
0x3b: {  	_ = 	snop  }
0x3c: {  	p2 =	seq.s32 s10, $0x1;
	s10 =	sld [smem:$0x3FB5]  }
0x3d: {  	_ =	shalt  }
0x3e: {  	_ =	shalt  }
0x3f: {  	_ =	shalt  }
0x40: {  	_ =	shalt  }
0x41: {  	_ =	shalt  }
0x42: {  	_ =	shalt  }
0x43: {  	_ =	shalt  }
0x44: {  	_ =	shalt  }
0x45: {  	_ =	shalt  }
0x46: {  	_ =	shalt  }
0x47: {  	_ =	shalt  }
0x48: {  	_ =	shalt  }
0x49: {  	_ =	shalt  }
0x4a: {  	_ =	shalt  }
0x4b: {  	_ =	shalt  }
0x4c: {  	_ =	shalt  }
0x4d: {  	_ =	shalt  }
0x4e: {  	_ =	shalt  }
0x4f: {  	_ =	shalt  }
0x50: {  	_ =	shalt  }
0x51: {  	_ =	shalt  }
0x52: {  	_ =	shalt  }
0x53: {  	_ =	shalt  }
0x54: {  	_ =	shalt  }
0x55: {  	_ =	shalt  }
0x56: {  	_ =	shalt  }
0x57: {  	_ =	shalt  }
0x58: {  	_ =	shalt  }
0x59: {  	_ =	shalt  }
0x5a: {  	_ =	shalt  }
0x5b: {  	_ =	shalt  }
0x5c: {  	_ =	shalt  }
0x5d: {  	_ =	shalt  }
0x5e: {  	_ =	shalt  }
0x5f: {  	_ =	shalt  }
0x60: {  	_ =	shalt  }
0x61: {  	_ =	shalt  }
0x62: {  	_ =	shalt  }
0x63: {  	_ =	shalt  }
0x64: {  	_ =	shalt  }
0x65: {  	_ =	shalt  }
0x66: {  	_ =	shalt  }
0x67: {  	_ =	shalt  }
0x68: {  	_ =	shalt  }
0x69: {  	_ =	shalt  }
0x6a: {  	_ =	shalt  }
0x6b: {  	_ =	shalt  }
0x6c: {  	_ =	shalt  }
0x6d: {  	_ =	shalt  }
0x6e: {  	_ =	shalt  }
0x6f: {  	_ =	shalt  }
0x70: {  	_ =	shalt  }
0x71: {  	_ =	shalt  }
0x72: {  	_ =	shalt  }
0x73: {  	_ =	shalt  }
0x74: {  	_ =	shalt  }
0x75: {  	_ =	shalt  }
0x76: {  	_ =	shalt  }
0x77: {  	_ =	shalt  }
0x78: {  	_ =	shalt  }
0x79: {  	_ =	shalt  }
0x7a: {  	_ =	shalt  }
0x7b: {  	_ =	shalt  }
0x7c: {  	_ =	shalt  }
0x7d: {  	_ =	shalt  }
0x7e: {  	_ =	shalt  }
0x7f: {  	_ =	shalt  }
0x80: {  	_ =	shalt  }
0x81: {  	_ =	shalt  }
0x82: {  	_ =	shalt  }
0x83: {  	_ =	shalt  }
0x84: {  	_ =	shalt  }
0x85: {  	_ =	shalt  }
0x86: {  	_ =	shalt  }
0x87: {  	_ =	shalt  }
.Lfunc_end0:
.L_simem_size_0:
called_computation_lowered:
.L_overlay_start_0:
0x88: {  	s2 =	sld [smem:$0x3FD9]  }
0x89: {  	s3 =	sld [smem:$0x3FFE];
	_ =	sdelay $0x1  }
0x8a: {  	s1 =	srdreg.scid  }
0x8b: {  	s0 =	sand.u32 $0x1, s1  }
0x8c: {  	s16 =	sshll.u32 s0, $0xA;
	s2 =	sadd.s32 s3, s2  }
0x8d: {  	s2 =	sadd.s32 s2, s16  }
0x8e: {  	[smem:$0x3FC1] =	sst s2  }
0x8f: {  	_ = 	snop  }
0x90: {  	(tm) =	ssettm $0x1  }
0x91: {  	s17 =	sld [smem:$0x3FFB];
	_ =	sdelay $0x3  }
0x92: {  	_ =	strace s17  }
0x93: {  	s2 =	sld [smem:$0x3FFC];
	_ =	sdelay $0x3  }
0x94: {  	_ =	strace s2  }
0x95: {  	s2 =	sld [smem:$0x3FFD];
	_ =	sdelay $0x3  }
0x96: {  	_ =	strace s2  }
0x97: {  	_ =	strace $0x8FFFFFFF  }
0x98: {  	s18 =	sld [smem:$0x3FDB];
	_ =	sdelay $0x1  }
0x99: {  	s19 =	simm.s32 $_scs_section_size  }
0x9a: {  	s4 =	simm.s32 $_size__tile_overlayer_lowered;
	s5 =	simm.s32 $_tile_overlayer_lowered  }
0x9b: {  	s22 =	simm.s32 $0x1BFF;
	s21 =	sshll.u32 s5, $0x1;
	s2 =	sadd.s32 s19, s18  }
0x9c: {  	s6 =	simm.s32 $0x0;
	s20 =	sshll.u32 s4, $0x1;
	s4 =	sadd.s32 s21, s2  }
0x9d: {  	[timem:s6], [sflag:s22] =	dma.local [hbm:s4], s20  }
0x9e: {  	_ =	swait.ge [sflag:s22], s20  }
0x9f: {  	s3 =	ssub.s32 $0x0, s20;
	[sflag:s22] =	ssyncset.done $0x0  }
0xa0: {  	[sflag:s22] =	ssyncadd.s32 s3;
	_ =	sdelay $0x1  }
0xa1: {  	s23 =	simm.s32 $0x1B8B  }
0xa2: {  	_ =	swait.ge [sflag:s23], $0x1  }
0xa3: {  	[sflag:s23] =	ssyncset.done $0x0  }
0xa4: {  	s25 =	simm.s32 $0x1B8E;
	s24 =	sld [smem:$0x3FFE];
	[sflag:s23] =	ssyncadd.s32 $0xFFFFFFFF  }
0xa5: {  	s26 =	simm.s32 $execute0_lowered;
	[smem:$0x3FD2] =	sst s25  }
0xa6: {  	s4 =	sshll.u32 s26, $0x1;
	_ =	strace $0x80000046;
	[dreg:$0x1] =	wrdreg $0xFFFFFFFF  }
0xa7: {  	s28 =	simm.s32 $_size_execute0_lowered;
	s2 =	sadd.s32 s2, s4;
	[dreg:$0x0] =	wrdreg $0x0  }
0xa8: {  	s4 =	sshll.u32 s28, $0x1;
	[dreg:$0x2] =	wrdreg s2  }
0xa9: {  	[dreg:$0x3] =	wrdreg s4  }
0xaa: {  	[dreg:$0x4] =	wrdreg $0xC0  }
0xab: {  	_ =	task [dreg:s6], $0x5FFFF  }
0xac: {  	[dreg:$0x1] =	wrdreg $0xFFFFFFFF  }
0xad: {  	[dreg:$0x0] =	wrdreg $0x60  }
0xae: {  	[dreg:$0x2] =	wrdreg s24  }
0xaf: {  	[dreg:$0x3] =	wrdreg $0x9  }
0xb0: {  	_ =	task.clear_ibuf [dreg:s6], $0x4FFFF;
	_ =	strace $0x90000046  }
0xb1: {  	s29 =	simm.s32 $0x9;
	_ =	strace $0x80000048  }
0xb2: {  	_ =	swait.ge [sflag:s29], $0x1  }
0xb3: {  	[sflag:s29] =	ssyncadd.s32 $0xFFFFFFFF  }
0xb4: {  	_ =	strace $0x90000048  }
0xb5: {  	_ =	sfence  }
0xb6: {  	s30 =	sld [smem:$0x0];
	_ =	sdelay $0x2  }
0xb7: {  	s31 =	sshll.u32 s1, $0xD;
	s1 =	sshrl.u32 s1, $0x2  }
0xb8: {  	s3 =	sand.u32 $0x4000, s31;
	s1 =	sadd.s32 s1, s30  }
0xb9: {  	s0 =	sor.u32 s3, s0;
	s1 =	sshll.u32 s1, $0x11  }
0xba: {  	s0 =	sor.u32 s1, s0  }
0xbb: {  	s0 =	sadd.s32 $0x8F2B, s0  }
0xbc: {  	[sflag:s0] =	ssyncadd.remote.s32 $0x1  }
0xbd: {  	_ =	sfence.sel $0xFFFF  }
0xbe: {  	[dreg:$0x0] =	wrdreg $0xFFFFFFFF;
	(pc) =	sbr.abs _section_cstart, $3  }
0xbf: {  	[dreg:$0x1] =	wrdreg $0xFFFFFFFF  }
0xc0: {  	_ =	task.clear_ibuf [dreg:s6], $0x2FFFF;
	_ =	strace $0x9FFFFFFF  }
0xc1: {  	(tm) =	ssettm $0x7FFFFFFF  }
tec
execute0_lowered:
.L_overlay_start_1:
0x0: {  	(tag) =	ssettag $0x1  }
0x1: {  	s0 =	srdreg.scid  }
0x2: {  	s5 =	rddreg [dreg:$0x0];
	s3 =	sand.u32 $0x1, s0  }
0x3: {  	s0 =	stileid.u32;
	s4 =	smul.u32 $0x28000, s3  }
0x4: {  	s1 =	rddreg [dreg:$0x1];
	s6 =	smul.u32 $0x2800, s0  }
0x5: {  	s2 =	simm.s32 $0x0;
	s7 =	simm.s32 $0x2800;
	s8 =	simm.s32 $0x0  }
0x6: {  	[smem:$0x7FF] =	sst s2;
	s3 =	ssub.s32 $0x2, s3;
	s4 =	sadd.s32 s6, s4  }
0x7: {  	_ =	strace $0x80000047;
	s30 =	sshrl.u32 s3, $0x1;
	s4 =	sshrl.u32 s4, $0x3  }
0x8: {  	s31 =	ssub.s32 s3, s30;
	s6 =	simm.s32 $0x1;
	s4 =	sadd.s32 s4, s5  }
0x9: {  	v0 =	vimm.f32 $0.0e+00;
	v1 =	vimm.f32 $1.000000000e+00;
	s5 =	smax.u32 s31, $0x1;
	s3 =	sadd.s32 $0x1400, s4;
	s4 =	sadd.s32 $0x10400, s4  }
.LBB2_1:
0xa: {  	[tilespmem:s2], [sflag:$0x1] =	stream.linear.gather [hbm4b:s3+s2], $0x2800, $0x38;
	[tilespmem:$0x5000] =	vst v63  }
0xb: {  	_ =	swait.ge [sflag:s6], $0x2800  }
0xc: {  	[sflag:s6] =	ssyncset.done $0x0  }
0xd: {  	s9 =	simm.s32 $0x0;
	s10 =	simm.s32 $0x200;
	[sflag:s6] =	ssyncadd.s32 $0xFFFFD800  }
.LBB2_2:
0xe: {  	p0 =	sne.s32 s10, $0x9E00;
	[tilespmem:s9+$0x2870] =	vst v0  }
0xf: {  	[tilespmem:s9+$0x2800] =	vst v0  }
0x10: {  	[tilespmem:s9+$0x2810] =	vst v0  }
.Ltmp0:
0x11: {  	[tilespmem:s9+$0x2820] =	vst v0;
	(pc) =	sbr.rel @p0 .LBB2_2-.Ltmp0, $4  }
0x12: {  	[tilespmem:s9+$0x2830] =	vst v0  }
0x13: {  	[tilespmem:s9+$0x2840] =	vst v0  }
0x14: {  	[tilespmem:s9+$0x2850] =	vst v0  }
0x15: {  	[tilespmem:s9+$0x2860] =	vst v0;
	s9 =	sshra.s32 s10, $0x2;
	s10 =	sadd.s32 $0x200, s10  }
0x16: {  	[tilespmem:s9+$0x2870] =	vst v0  }
0x17: {  	[tilespmem:s9+$0x2800] =	vst v0  }
0x18: {  	[tilespmem:s9+$0x2810] =	vst v0  }
0x19: {  	[tilespmem:s9+$0x2820] =	vst v0  }
0x1a: {  	[tilespmem:s9+$0x2830] =	vst v0  }
0x1b: {  	[tilespmem:s9+$0x2840] =	vst v0  }
0x1c: {  	[tilespmem:s9+$0x2850] =	vst v0  }
0x1d: {  	[tilespmem:s9+$0x2860] =	vst v0;
	s9 =	simm.s32 $0x0  }
.LBB2_4:
0x1e: {  	s10 =	sshra.s32 s9, $0x2  }
0x1f: {  	v2 =	vld [tilespmem:s10+$0x0];
	_ =	sdelay $0x7  }
0x20: {  	[tilespmem:v2+s7+$0x0] =	vst.idx.add.f32.msk $0xffff, v1  }
0x21: {  	v2 =	vld [tilespmem:s10+$0x10];
	_ =	sdelay $0x7  }
0x22: {  	[tilespmem:v2+s7+$0x0] =	vst.idx.add.f32.msk $0xffff, v1  }
0x23: {  	v2 =	vld [tilespmem:s10+$0x20];
	_ =	sdelay $0x7  }
0x24: {  	[tilespmem:v2+s7+$0x0] =	vst.idx.add.f32.msk $0xffff, v1  }
0x25: {  	v2 =	vld [tilespmem:s10+$0x30];
	_ =	sdelay $0x7  }
0x26: {  	[tilespmem:v2+s7+$0x0] =	vst.idx.add.f32.msk $0xffff, v1  }
0x27: {  	v2 =	vld [tilespmem:s10+$0x40];
	_ =	sdelay $0x7  }
0x28: {  	[tilespmem:v2+s7+$0x0] =	vst.idx.add.f32.msk $0xffff, v1  }
0x29: {  	v2 =	vld [tilespmem:s10+$0x50];
	_ =	sdelay $0x7  }
0x2a: {  	[tilespmem:v2+s7+$0x0] =	vst.idx.add.f32.msk $0xffff, v1  }
0x2b: {  	v2 =	vld [tilespmem:s10+$0x60];
	_ =	sdelay $0x7  }
0x2c: {  	[tilespmem:v2+s7+$0x0] =	vst.idx.add.f32.msk $0xffff, v1  }
0x2d: {  	v2 =	vld [tilespmem:s10+$0x70];
	_ =	sdelay $0x2  }
0x2e: {  	p0 =	sne.s32 s9, $0x9E00  }
.Ltmp1:
0x2f: {  	_ = 	snop;
	(pc) =	sbr.rel @p0 .LBB2_4-.Ltmp1, $2  }
0x30: {  	_ =	sdelay $0x2  }
0x31: {  	s9 =	sadd.s32 $0x200, s9;
	[tilespmem:v2+s7+$0x0] =	vst.idx.add.f32.msk $0xffff, v1  }
0x32: {  	s8 =	sadd.s32 $0x1, s8  }
0x33: {  	p0 =	sne.s32 s8, s5  }
.Ltmp2:
0x34: {  	_ = 	snop;
	(pc) =	sbr.rel @p0 .LBB2_1-.Ltmp2, $4  }
0x35: {  	[hbm4b:s4+s2] =	stream.linear.scatter [tilespmem:s7], [sflag:$0x1], $0x2800, $0x38;
	[tilespmem:$0x5000] =	vst v63  }
0x36: {  	_ =	swait.ge [sflag:s6], $0x2800  }
0x37: {  	[sflag:s6] =	ssyncset.done $0x0  }
0x38: {  	[sflag:s6] =	ssyncadd.s32 $0xFFFFD800  }
0x39: {  	_ =	sfence.sel $0x180000  }
0x3a: {  	[bflag:$0x0] =	sbarrier.arrive $0xFFFF  }
0x3b: {  	p0 =	sne.s32 s0, $0x0;
	_ =	strace $0x90000047  }
0x3c: {  	s0 =	sadd.s32 @!p0 $0x100000, s1;
	[bflag:$0x2] =	sbarrier.arrive $0xFFFF  }
0x3d: {  	[sflag:s0] =	ssyncadd.tile.s32 @!p0 $0x1;
	_ =	shalt  }
.Lfunc_end2:
_tile_overlayer_lowered:
.L_overlay_start_2:
0x3e: {  	(tag) =	ssettag $0x2  }
0x3f: {  	s0 =	rddreg [dreg:$0x0];
	s2 =	stileid.u32  }
0x40: {  	s1 =	rddreg [dreg:$0x1];
	p0 =	sne.s32 s2, $0x0  }
0x41: {  	s3 =	rddreg [dreg:$0x2];
	[bflag:$0x3] =	sbarrier.arrive $0xFFFF;
	s2 =	simm.s32 @!p0 $0x1C01  }
0x42: {  	[timem:s3], [sflag:s2] =	dma.local @!p0 [hbm:s0], s1  }
0x43: {  	s0 =	simm.s32 @!p0 $0x1  }
0x44: {  	_ =	swait.ge @!p0 [sflag:s0], s1  }
0x45: {  	s1 =	ssub.s32 @!p0 $0x0, s1;
	[sflag:s0] =	ssyncset.done @!p0 $0x0  }
0x46: {  	[sflag:s0] =	ssyncadd.s32 @!p0 s1  }
0x47: {  	[bflag:$0x3] =	sbarrier.arrive $0xFFFF  }
0x48: {  	_ =	shalt  }

</sc_bundles>
